<compile_context>
chip_gen: v7x
topology: tpu7x:2x2x1
jax: 0.10.2.dev20260603
libtpu: 0.0.44.dev20260713+nightly
codegen_flags: <defaults>
</compile_context>

<pallas_src>
import jax
import jax.numpy as jnp
from jax import lax
from jax.experimental import pallas as pl
from jax.experimental.pallas import tpu as pltpu
from jax.experimental.pallas import tpu_sc as plsc

B, S = 128, 200
N = B * S
D, DT = 256, 768
C, VC, U = 1000, 100000, 4096
NB, NT, TSD = 3, 7, 8
EPS = 1e-6

NSPLIT = 1
H = N // NSPLIT
TOK_BLK = 2560
H_BLKS = H // TOK_BLK
KF = 32

NC, NS = 2, 16
NW = NC * NS
PER_W = H // NW
CH = 80
NCH = PER_W // CH


def _pack_rows(p):
    pb = p.astype(jnp.bfloat16).astype(jnp.float32)
    bits = lax.bitcast_convert_type(pb, jnp.uint32)
    lo = bits[:, :D // 2] >> 16
    hi = bits[:, D // 2:] & jnp.uint32(0xFFFF0000)
    return lax.bitcast_convert_type(lo | hi, jnp.int32)


def _unpack_rows(w):
    u = lax.bitcast_convert_type(w, jnp.uint32)
    lo = lax.bitcast_convert_type(u << 16, jnp.float32)
    hi = lax.bitcast_convert_type(u & jnp.uint32(0xFFFF0000), jnp.float32)
    return jnp.concatenate([lo, hi], axis=1)


def _proj_body(colt_ref, textt_ref, wcol_ref, wtext_ref, bcol_ref, btext_ref,
               colp_ref, textp_ref):
    @pl.when(pl.program_id(0) == 0)
    def _():
        colp_ref[...] = _pack_rows(
            jnp.dot(colt_ref[...].astype(jnp.bfloat16),
                    wcol_ref[...].astype(jnp.bfloat16),
                    preferred_element_type=jnp.float32) + bcol_ref[...])

    textp_ref[...] = _pack_rows(
        jnp.dot(textt_ref[...].astype(jnp.bfloat16),
                wtext_ref[...].astype(jnp.bfloat16),
                preferred_element_type=jnp.float32) + btext_ref[...])


def _project_tables(col_emb_table, text_batch_emb, W_col, W_text, b_col, b_text):
    ub = U // 4
    return pl.pallas_call(
        _proj_body,
        grid=(4,),
        in_specs=[pl.BlockSpec((C, DT), lambda i: (0, 0)),
                  pl.BlockSpec((ub, DT), lambda i: (i, 0)),
                  pl.BlockSpec((DT, D), lambda i: (0, 0)),
                  pl.BlockSpec((DT, D), lambda i: (0, 0)),
                  pl.BlockSpec((1, D), lambda i: (0, 0)),
                  pl.BlockSpec((1, D), lambda i: (0, 0))],
        out_specs=(pl.BlockSpec((C, D // 2), lambda i: (0, 0)),
                   pl.BlockSpec((ub, D // 2), lambda i: (i, 0))),
        out_shape=(jax.ShapeDtypeStruct((C, D // 2), jnp.int32),
                   jax.ShapeDtypeStruct((U, D // 2), jnp.int32)),
    )(col_emb_table, text_batch_emb, W_col, W_text,
      b_col.reshape(1, D), b_text.reshape(1, D))


def _pipelined_gathers(tabs, idx_refs, outs, bufs, gsem, wsem, base):
    nt = len(tabs)

    def g(t, ci, b):
        return pltpu.make_async_copy(
            tabs[t].at[idx_refs[t].at[pl.ds(ci * CH, CH)]], bufs[t][b],
            gsem.at[t, b])

    def w(t, ci, b):
        return pltpu.make_async_copy(
            bufs[t][b], outs[t].at[pl.ds(base + ci * CH, CH)], wsem.at[t, b])

    for t in range(nt):
        g(t, 0, 0).start()
    for t in range(nt):
        g(t, 0, 0).wait()
        g(t, 1, 1).start()
        w(t, 0, 0).start()

    @pl.loop(0, (NCH - 2) // 2)
    def _(k):
        for b, delta in ((1, 1), (0, 2)):
            ci = 2 * k + delta
            for t in range(nt):
                g(t, ci, b).wait()
                w(t, ci - 1, 1 - b).wait()
                g(t, ci + 1, 1 - b).start()
                w(t, ci, b).start()

    for t in range(nt):
        g(t, NCH - 1, 1).wait()
        w(t, NCH - 2, 0).wait()
        w(t, NCH - 1, 1).start()
        w(t, NCH - 1, 1).wait()


_MESH = plsc.VectorSubcoreMesh(core_axis_name="c", subcore_axis_name="s")


def _sc_cat_body(cat_tab, cat_ids, cat_out, idx_v, buf0, buf1, gsem, wsem):
    wid = lax.axis_index("s") * NC + lax.axis_index("c")
    base = wid * PER_W
    pltpu.sync_copy(cat_ids.at[pl.ds(base, PER_W)], idx_v)
    _pipelined_gathers((cat_tab,), (idx_v,), (cat_out,), ((buf0, buf1),),
                       gsem, wsem, base)


def _sc_cat_gather(cat_tab, cat_ids):
    k = pl.kernel(
        _sc_cat_body,
        mesh=_MESH,
        out_type=jax.ShapeDtypeStruct((H, DT), jnp.float32),
        scratch_types=[pltpu.VMEM((PER_W,), jnp.int32),
                       pltpu.VMEM((CH, DT), jnp.float32),
                       pltpu.VMEM((CH, DT), jnp.float32),
                       pltpu.SemaphoreType.DMA((1, 2)),
                       pltpu.SemaphoreType.DMA((1, 2))],
    )
    return k(cat_tab, cat_ids)


def _sc_proj_body(colp_tab, textp_tab, col_ids, text_ids, col_out, text_out,
                  cidx_v, tidx_v, cbuf0, cbuf1, tbuf0, tbuf1, gsem, wsem):
    wid = lax.axis_index("s") * NC + lax.axis_index("c")
    base = wid * PER_W
    pltpu.sync_copy(col_ids.at[pl.ds(base, PER_W)], cidx_v)
    pltpu.sync_copy(text_ids.at[pl.ds(base, PER_W)], tidx_v)
    _pipelined_gathers((colp_tab, textp_tab), (cidx_v, tidx_v),
                       (col_out, text_out),
                       ((cbuf0, cbuf1), (tbuf0, tbuf1)), gsem, wsem, base)


def _sc_proj_gather(colp_tab, textp_tab, col_ids, text_ids):
    k = pl.kernel(
        _sc_proj_body,
        mesh=_MESH,
        out_type=[jax.ShapeDtypeStruct((H, D // 2), jnp.int32),
                  jax.ShapeDtypeStruct((H, D // 2), jnp.int32)],
        scratch_types=[pltpu.VMEM((PER_W,), jnp.int32),
                       pltpu.VMEM((PER_W,), jnp.int32),
                       pltpu.VMEM((CH, D // 2), jnp.int32),
                       pltpu.VMEM((CH, D // 2), jnp.int32),
                       pltpu.VMEM((CH, D // 2), jnp.int32),
                       pltpu.VMEM((CH, D // 2), jnp.int32),
                       pltpu.SemaphoreType.DMA((2, 2)),
                       pltpu.SemaphoreType.DMA((2, 2))],
    )
    return k(colp_tab, textp_tab, col_ids, text_ids)


def _final_body(cat_ref, colv_ref, textv_ref, pk_ref, wcat_ref, r_ref,
                scale_ref, out_ref):
    f32 = jnp.float32
    catd = jnp.dot(cat_ref[...].astype(jnp.bfloat16), wcat_ref[...],
                   preferred_element_type=f32)
    sel = jnp.dot(pk_ref[...], r_ref[...], preferred_element_type=f32)
    am4 = pk_ref[:, 17:18].astype(f32)
    am5 = pk_ref[:, 18:19].astype(f32)
    ipad = pk_ref[:, 19:20].astype(f32)
    x = (_unpack_rows(colv_ref[...]) + sel
         + jnp.where(am4 > 0.0, catd, 0.0)
         + am5 * _unpack_rows(textv_ref[...]))
    xc = x - jnp.mean(x, axis=1, keepdims=True)
    h = xc * lax.rsqrt(jnp.mean(xc * xc, axis=1, keepdims=True) + EPS)
    out_ref[...] = h * scale_ref[...] * (1.0 - ipad)


def _final(half, cat_rows, col_rows, text_rows, pk, wcat_bf, r_mat, rms_scale):
    tok = lambda w: pl.BlockSpec((TOK_BLK, w), lambda i: (i, 0))
    pk_spec = pl.BlockSpec((TOK_BLK, KF), lambda i: (i + half * H_BLKS, 0))
    rep = lambda a, b: pl.BlockSpec((a, b), lambda i: (0, 0))
    return pl.pallas_call(
        _final_body,
        grid=(H_BLKS,),
        in_specs=[tok(DT), tok(D // 2), tok(D // 2), pk_spec,
                  rep(DT, D), rep(KF, D), rep(1, D)],
        out_specs=pl.BlockSpec((TOK_BLK, D), lambda i: (i, 0)),
        out_shape=jax.ShapeDtypeStruct((H, D), jnp.float32),
    )(cat_rows, col_rows, text_rows, pk, wcat_bf, r_mat,
      rms_scale.reshape(1, D))


def kernel(semantic_types, column_ids, is_null, is_target, is_padding,
           numeric_values, timestamp_values, bool_values,
           categorical_embed_ids, text_embed_ids,
           col_emb_table, cat_emb_table, text_batch_emb,
           W_col, b_col, W_num, b_num, W_ts, b_ts, W_cat, b_cat,
           W_text, b_text, bool_emb_table, identifier_emb, null_emb,
           mask_emb, rms_scale):
    f32 = jnp.float32
    cat_ids = categorical_embed_ids.astype(jnp.int32).reshape(NSPLIT, H)
    col_ids = column_ids.astype(jnp.int32).reshape(NSPLIT, H)
    text_ids = text_embed_ids.astype(jnp.int32).reshape(NSPLIT, H)

    colp, textp = _project_tables(col_emb_table, text_batch_emb,
                                  W_col, W_text, b_col, b_text)

    st = semantic_types.astype(f32)
    inul = is_null.astype(f32)
    itgt = is_target.astype(f32)
    a = (1.0 - itgt) * (1.0 - inul)
    bmix = (1.0 - itgt) * inul
    m = [a * (st == k).astype(f32) for k in range(6)]
    boolc = jnp.clip(bool_values.astype(f32), 0.0, NB - 1.0)
    cols = [m[0],
            m[1] * numeric_values,
            m[1]]
    cols += [m[2] * timestamp_values[..., j] for j in range(TSD)]
    cols += [m[2],
             m[3] * (boolc == 0.0).astype(f32),
             m[3] * (boolc == 1.0).astype(f32),
             m[3] * (boolc == 2.0).astype(f32),
             bmix,
             itgt,
             m[4],
             m[5],
             is_padding.astype(f32)]
    pk = jnp.stack(cols + [jnp.zeros((B, S), f32)] * (KF - len(cols)),
                   axis=-1).astype(jnp.bfloat16).reshape(N, KF)

    r_mat = jnp.concatenate(
        [identifier_emb.reshape(1, D), W_num, b_num.reshape(1, D), W_ts,
         b_ts.reshape(1, D), bool_emb_table, null_emb.reshape(1, D),
         mask_emb.reshape(1, D), b_cat.reshape(1, D),
         jnp.zeros((KF - 18, D), f32)], axis=0).astype(jnp.bfloat16)
    wcat_bf = W_cat.astype(jnp.bfloat16)

    outs = []
    prev = None
    for h in range(NSPLIT):
        cids = cat_ids[h]
        if prev is not None:
            cids, _ = lax.optimization_barrier((cids, prev))
        cat_rows = _sc_cat_gather(cat_emb_table, cids)
        colp_h, textp_h, cat_rows = lax.optimization_barrier(
            (colp, textp, cat_rows))
        col_rows, text_rows = _sc_proj_gather(colp_h, textp_h,
                                              col_ids[h], text_ids[h])
        prev = col_rows
        outs.append(_final(h, cat_rows, col_rows, text_rows, pk,
                           wcat_bf, r_mat, rms_scale))

    return jnp.concatenate(outs, axis=0).reshape(B, S, D)

# --- scband reference (transcript-rebuilt; emitter-appended) ---
"""Pipeline reference for scband-value-encoder-55800215109738 (READ-ONLY COPY).

The authoritative reference and input builder live on the scoring server;
editing this copy changes nothing except your own understanding.
"""

import jax, jax.numpy as jnp
import numpy as np

B, S = 128, 200
D, DT = 256, 768
C, VC, U = 1000, 100000, 4096
NB, NT, TSD = 3, 7, 8
EPS = 1e-6


def setup_inputs(seed: int = 0):
    key = jax.random.key(seed)
    ks = jax.random.split(key, 32)
    inp = {}
    inp["semantic_types"] = jax.random.randint(ks[0], (B, S), 0, NT)
    inp["column_ids"] = jax.random.randint(ks[1], (B, S), 0, C)
    inp["is_null"] = jax.random.randint(ks[2], (B, S), 0, 2)
    inp["is_target"] = jax.random.randint(ks[3], (B, S), 0, 2)
    inp["is_padding"] = jax.random.randint(ks[4], (B, S), 0, 2)
    inp["numeric_values"] = jax.random.normal(ks[5], (B, S), dtype=jnp.float32)
    inp["timestamp_values"] = jax.random.normal(ks[6], (B, S, TSD), dtype=jnp.float32)
    inp["bool_values"] = jax.random.randint(ks[7], (B, S), 0, NB)
    inp["categorical_embed_ids"] = jax.random.randint(ks[8], (B, S), 0, VC)
    inp["text_embed_ids"] = jax.random.randint(ks[9], (B, S), 0, U)
    inp["col_emb_table"] = jax.random.normal(ks[10], (C, DT), dtype=jnp.float32)
    inp["cat_emb_table"] = jax.random.normal(ks[11], (VC, DT), dtype=jnp.float32)
    inp["text_batch_emb"] = jax.random.normal(ks[12], (U, DT), dtype=jnp.float32)
    s = 0.02
    inp["W_col"] = jax.random.normal(ks[13], (DT, D), dtype=jnp.float32) * s
    inp["b_col"] = jnp.zeros((D,), jnp.float32)
    inp["W_num"] = jax.random.normal(ks[14], (1, D), dtype=jnp.float32) * s
    inp["b_num"] = jnp.zeros((D,), jnp.float32)
    inp["W_ts"] = jax.random.normal(ks[15], (TSD, D), dtype=jnp.float32) * s
    inp["b_ts"] = jnp.zeros((D,), jnp.float32)
    inp["W_cat"] = jax.random.normal(ks[16], (DT, D), dtype=jnp.float32) * s
    inp["b_cat"] = jnp.zeros((D,), jnp.float32)
    inp["W_text"] = jax.random.normal(ks[17], (DT, D), dtype=jnp.float32) * s
    inp["b_text"] = jnp.zeros((D,), jnp.float32)
    inp["bool_emb_table"] = jax.random.normal(ks[18], (NB, D), dtype=jnp.float32) * s
    inp["identifier_emb"] = jax.random.normal(ks[19], (D,), dtype=jnp.float32) * s
    inp["null_emb"] = jax.random.normal(ks[20], (D,), dtype=jnp.float32) * s
    inp["mask_emb"] = jax.random.normal(ks[21], (D,), dtype=jnp.float32) * s
    inp["rms_scale"] = jnp.ones((D,), jnp.float32)
    return inp


def _forward(semantic_types, column_ids, is_null, is_target, is_padding,
             bool_values, categorical_embed_ids, text_embed_ids,
             numeric_values, timestamp_values,
             col_emb_table, cat_emb_table, text_batch_emb,
             W_col, b_col, W_num, b_num, W_ts, b_ts, W_cat, b_cat, W_text, b_text,
             bool_emb_table, identifier_emb, null_emb, mask_emb, rms_scale):
    is_null_f = is_null.astype(jnp.float32)
    is_target_f = is_target.astype(jnp.float32)
    is_padding_f = is_padding.astype(jnp.float32)
    # column-name embedding lookup + dense encode
    col_raw = jnp.take(col_emb_table, column_ids, axis=0).astype(jnp.bfloat16)
    col_enc = jnp.dot(col_raw.astype(jnp.float32), W_col) + b_col
    id_val = jnp.broadcast_to(identifier_emb, col_enc.shape)
    num_input = numeric_values[..., None].astype(jnp.bfloat16)
    num_val = jnp.dot(num_input.astype(jnp.float32), W_num) + b_num
    ts_input = timestamp_values.astype(jnp.bfloat16)
    ts_val = jnp.dot(ts_input.astype(jnp.float32), W_ts) + b_ts
    bool_val = jnp.take(bool_emb_table, bool_values.astype(jnp.int32), axis=0)
    cat_raw = jnp.take(cat_emb_table, categorical_embed_ids, axis=0).astype(jnp.bfloat16)
    cat_val = jnp.dot(cat_raw.astype(jnp.float32), W_cat) + b_cat
    max_text_idx = text_batch_emb.shape[0] - 1
    safe_text_ids = jnp.clip(text_embed_ids, 0, max(max_text_idx, 0))
    text_raw = jnp.take(text_batch_emb, safe_text_ids, axis=0).astype(jnp.bfloat16)
    text_val = jnp.dot(text_raw.astype(jnp.float32), W_text) + b_text
    stypes = semantic_types.astype(jnp.int32)
    type_one_hot = jax.nn.one_hot(stypes, NT, dtype=jnp.float32)
    all_vals = jnp.stack([id_val, num_val, ts_val, bool_val, cat_val, text_val,
                          jnp.zeros_like(id_val)], axis=2)
    raw_val = jnp.einsum('bst,bstd->bsd', type_one_hot, all_vals)
    inul = is_null_f[..., None]
    val_or_null = inul * null_emb + (1.0 - inul) * raw_val
    itgt = is_target_f[..., None]
    val_final = itgt * mask_emb + (1.0 - itgt) * val_or_null
    x = col_enc + val_final
    xc = x - jnp.mean(x, axis=-1, keepdims=True)
    h0 = xc * jax.lax.rsqrt(jnp.mean(xc * xc, axis=-1, keepdims=True) + EPS) * rms_scale
    h0 = h0 * (1.0 - is_padding_f[..., None])
    return h0


def reference(semantic_types, column_ids, is_null, is_target, is_padding,
              numeric_values, timestamp_values, bool_values,
              categorical_embed_ids, text_embed_ids,
              col_emb_table, cat_emb_table, text_batch_emb,
              W_col, b_col, W_num, b_num, W_ts, b_ts, W_cat, b_cat, W_text, b_text,
              bool_emb_table, identifier_emb, null_emb, mask_emb, rms_scale):
    return _forward(semantic_types, column_ids, is_null, is_target,
                    is_padding, bool_values, categorical_embed_ids,
                    text_embed_ids, numeric_values, timestamp_values,
                    col_emb_table, cat_emb_table, text_batch_emb,
                    W_col, b_col, W_num, b_num, W_ts, b_ts,
                    W_cat, b_cat, W_text, b_text,
                    bool_emb_table, identifier_emb, null_emb,
                    mask_emb, rms_scale)

if __name__ == "__main__":
    import jax
    _d = setup_inputs()
    print(jax.jit(kernel)(*tuple(_d.values())))

</pallas_src>

<mosaic_0001>
#map = affine_map<(d0, d1) -> (0, 0)>
#map1 = affine_map<(d0, d1) -> (0)>
module attributes {stable_mosaic.version = 14 : i64} {
  func.func @_sc_proj_body(%arg0: i32, %arg1: i32, %arg2: memref<1000x128xi32, #tpu.memory_space<hbm>>, %arg3: memref<4096x128xi32, #tpu.memory_space<hbm>>, %arg4: memref<25600xi32, #tpu.memory_space<hbm>>, %arg5: memref<25600xi32, #tpu.memory_space<hbm>>, %arg6: memref<25600x128xi32, #tpu.memory_space<hbm>>, %arg7: memref<25600x128xi32, #tpu.memory_space<hbm>>, %arg8: memref<800xi32, #tpu.memory_space<vmem>>, %arg9: memref<800xi32, #tpu.memory_space<vmem>>, %arg10: memref<80x128xi32, #tpu.memory_space<vmem>>, %arg11: memref<80x128xi32, #tpu.memory_space<vmem>>, %arg12: memref<80x128xi32, #tpu.memory_space<vmem>>, %arg13: memref<80x128xi32, #tpu.memory_space<vmem>>, %arg14: memref<2x2x!tpu.dma_semaphore, #tpu.memory_space<semaphore_mem>>, %arg15: memref<2x2x!tpu.dma_semaphore, #tpu.memory_space<semaphore_mem>>) attributes {dimension_semantics = [#tpu.dimension_semantics<core_parallel>, #tpu.dimension_semantics<subcore_parallel>], iteration_bounds = array<i64: 2, 16>, scalar_prefetch = 0 : i64, scratch_operands = 8 : i64, tpu.core_type = #tpu.core_type<sc_vector_subcore>, window_params = [{transform_indices = #map}, {transform_indices = #map}, {transform_indices = #map1}, {transform_indices = #map1}, {transform_indices = #map}, {transform_indices = #map}]} {
    %mul3A = arith.constant 2 : i32
    %mul3A_0 = arith.muli %arg1, %mul3A : i32
    %add3A = arith.addi %mul3A_0, %arg0 : i32
    %mul3A_1 = arith.constant 800 : i32
    %mul3A_2 = arith.muli %add3A, %mul3A_1 : i32
    "tpu.region"() ({
      %run_scoped3A = tpu.sem_alloc : memref<!tpu.dma_semaphore, #tpu.memory_space<semaphore_mem>>
      %dma_start3A_157 = tpu.memref_slice %arg4[%mul3A_2] : memref<25600xi32, #tpu.memory_space<hbm>> -> memref<800xi32, #tpu.memory_space<hbm>>
      %dma_start3A_158 = tpu.memref_slice %arg4[%mul3A_2] : memref<25600xi32, #tpu.memory_space<hbm>> -> memref<800xi32, #tpu.memory_space<hbm>>
      tpu.enqueue_dma source(%dma_start3A_158 : memref<800xi32, #tpu.memory_space<hbm>>) target(%arg8 : memref<800xi32, #tpu.memory_space<vmem>>) target_semaphore(%run_scoped3A : memref<!tpu.dma_semaphore, #tpu.memory_space<semaphore_mem>>)
      %dma_wait3A_159 = tpu.memref_slice %arg4[%mul3A_2] : memref<25600xi32, #tpu.memory_space<hbm>> -> memref<800xi32, #tpu.memory_space<hbm>>
      %dma_wait3A_160 = tpu.memref_slice %arg4[%mul3A_2] : memref<25600xi32, #tpu.memory_space<hbm>> -> memref<800xi32, #tpu.memory_space<hbm>>
      tpu.wait_dma2 semaphore(%run_scoped3A : memref<!tpu.dma_semaphore, #tpu.memory_space<semaphore_mem>>) src(%dma_wait3A_160 : memref<800xi32, #tpu.memory_space<hbm>>) dst(%arg8 : memref<800xi32, #tpu.memory_space<vmem>>)
      tpu.yield
    }) : () -> ()
    "tpu.region"() ({
      %run_scoped3A = tpu.sem_alloc : memref<!tpu.dma_semaphore, #tpu.memory_space<semaphore_mem>>
      %dma_start3A_157 = tpu.memref_slice %arg5[%mul3A_2] : memref<25600xi32, #tpu.memory_space<hbm>> -> memref<800xi32, #tpu.memory_space<hbm>>
      %dma_start3A_158 = tpu.memref_slice %arg5[%mul3A_2] : memref<25600xi32, #tpu.memory_space<hbm>> -> memref<800xi32, #tpu.memory_space<hbm>>
      tpu.enqueue_dma source(%dma_start3A_158 : memref<800xi32, #tpu.memory_space<hbm>>) target(%arg9 : memref<800xi32, #tpu.memory_space<vmem>>) target_semaphore(%run_scoped3A : memref<!tpu.dma_semaphore, #tpu.memory_space<semaphore_mem>>)
      %dma_wait3A_159 = tpu.memref_slice %arg5[%mul3A_2] : memref<25600xi32, #tpu.memory_space<hbm>> -> memref<800xi32, #tpu.memory_space<hbm>>
      %dma_wait3A_160 = tpu.memref_slice %arg5[%mul3A_2] : memref<25600xi32, #tpu.memory_space<hbm>> -> memref<800xi32, #tpu.memory_space<hbm>>
      tpu.wait_dma2 semaphore(%run_scoped3A : memref<!tpu.dma_semaphore, #tpu.memory_space<semaphore_mem>>) src(%dma_wait3A_160 : memref<800xi32, #tpu.memory_space<hbm>>) dst(%arg9 : memref<800xi32, #tpu.memory_space<vmem>>)
      tpu.yield
    }) : () -> ()
    %dma_start3A = arith.constant 0 : i32
    %dma_start3A_3 = arith.constant 0 : i32
    %dma_start3A_4 = arith.constant 0 : i32
    %dma_start3A_5 = tpu.memref_slice %arg8[%dma_start3A_4] : memref<800xi32, #tpu.memory_space<vmem>> -> memref<80xi32, #tpu.memory_space<vmem>>
    %dma_start3A_6 = arith.constant 0 : i32
    %dma_start3A_7 = arith.constant 0 : i32
    %dma_start3A_8 = tpu.memref_slice %arg2[%dma_start3A_6, %dma_start3A_7] : memref<1000x128xi32, #tpu.memory_space<hbm>> -> memref<1000x128xi32, #tpu.memory_space<hbm>>
    %dma_start3A_9 = tpu.memref_slice %arg14[%dma_start3A, %dma_start3A_3] : memref<2x2x!tpu.dma_semaphore, #tpu.memory_space<semaphore_mem>> -> memref<1x1x!tpu.dma_semaphore, #tpu.memory_space<semaphore_mem>>
    %dma_start3A_10 = tpu.memref_squeeze %dma_start3A_9 : memref<1x1x!tpu.dma_semaphore, #tpu.memory_space<semaphore_mem>> -> memref<!tpu.dma_semaphore, #tpu.memory_space<semaphore_mem>>
    tpu.enqueue_indirect_dma source(%dma_start3A_8 : memref<1000x128xi32, #tpu.memory_space<hbm>>) target(%arg10 : memref<80x128xi32, #tpu.memory_space<vmem>>) offsets(%dma_start3A_5 : memref<80xi32, #tpu.memory_space<vmem>>) semaphore(%dma_start3A_10 : memref<!tpu.dma_semaphore, #tpu.memory_space<semaphore_mem>>)
    %dma_start3A_11 = arith.constant 1 : i32
    %dma_start3A_12 = arith.constant 0 : i32
    %dma_start3A_13 = arith.constant 0 : i32
    %dma_start3A_14 = tpu.memref_slice %arg9[%dma_start3A_13] : memref<800xi32, #tpu.memory_space<vmem>> -> memref<80xi32, #tpu.memory_space<vmem>>
    %dma_start3A_15 = arith.constant 0 : i32
    %dma_start3A_16 = arith.constant 0 : i32
    %dma_start3A_17 = tpu.memref_slice %arg3[%dma_start3A_15, %dma_start3A_16] : memref<4096x128xi32, #tpu.memory_space<hbm>> -> memref<4096x128xi32, #tpu.memory_space<hbm>>
    %dma_start3A_18 = tpu.memref_slice %arg14[%dma_start3A_11, %dma_start3A_12] : memref<2x2x!tpu.dma_semaphore, #tpu.memory_space<semaphore_mem>> -> memref<1x1x!tpu.dma_semaphore, #tpu.memory_space<semaphore_mem>>
    %dma_start3A_19 = tpu.memref_squeeze %dma_start3A_18 : memref<1x1x!tpu.dma_semaphore, #tpu.memory_space<semaphore_mem>> -> memref<!tpu.dma_semaphore, #tpu.memory_space<semaphore_mem>>
    tpu.enqueue_indirect_dma source(%dma_start3A_17 : memref<4096x128xi32, #tpu.memory_space<hbm>>) target(%arg12 : memref<80x128xi32, #tpu.memory_space<vmem>>) offsets(%dma_start3A_14 : memref<80xi32, #tpu.memory_space<vmem>>) semaphore(%dma_start3A_19 : memref<!tpu.dma_semaphore, #tpu.memory_space<semaphore_mem>>)
    %dma_wait3A = arith.constant 0 : i32
    %dma_wait3A_20 = arith.constant 0 : i32
    %dma_wait3A_21 = arith.constant 0 : i32
    %dma_wait3A_22 = tpu.memref_slice %arg8[%dma_wait3A_21] : memref<800xi32, #tpu.memory_space<vmem>> -> memref<80xi32, #tpu.memory_space<vmem>>
    %dma_wait3A_23 = arith.constant 0 : i32
    %dma_wait3A_24 = arith.constant 0 : i32
    %dma_wait3A_25 = tpu.memref_slice %arg2[%dma_wait3A_23, %dma_wait3A_24] : memref<1000x128xi32, #tpu.memory_space<hbm>> -> memref<1000x128xi32, #tpu.memory_space<hbm>>
    %dma_wait3A_26 = tpu.memref_slice %arg14[%dma_wait3A, %dma_wait3A_20] : memref<2x2x!tpu.dma_semaphore, #tpu.memory_space<semaphore_mem>> -> memref<1x1x!tpu.dma_semaphore, #tpu.memory_space<semaphore_mem>>
    %dma_wait3A_27 = tpu.memref_squeeze %dma_wait3A_26 : memref<1x1x!tpu.dma_semaphore, #tpu.memory_space<semaphore_mem>> -> memref<!tpu.dma_semaphore, #tpu.memory_space<semaphore_mem>>
    tpu.wait_indirect_dma semaphore(%dma_wait3A_27 : memref<!tpu.dma_semaphore, #tpu.memory_space<semaphore_mem>>) src(%dma_wait3A_25 : memref<1000x128xi32, #tpu.memory_space<hbm>>) dst(%arg10 : memref<80x128xi32, #tpu.memory_space<vmem>>)
    %dma_start3A_28 = arith.constant 0 : i32
    %dma_start3A_29 = arith.constant 1 : i32
    %dma_start3A_30 = arith.constant 80 : i32
    %dma_start3A_31 = tpu.memref_slice %arg8[%dma_start3A_30] : memref<800xi32, #tpu.memory_space<vmem>> -> memref<80xi32, #tpu.memory_space<vmem>>
    %dma_start3A_32 = arith.constant 0 : i32
    %dma_start3A_33 = arith.constant 0 : i32
    %dma_start3A_34 = tpu.memref_slice %arg2[%dma_start3A_32, %dma_start3A_33] : memref<1000x128xi32, #tpu.memory_space<hbm>> -> memref<1000x128xi32, #tpu.memory_space<hbm>>
    %dma_start3A_35 = tpu.memref_slice %arg14[%dma_start3A_28, %dma_start3A_29] : memref<2x2x!tpu.dma_semaphore, #tpu.memory_space<semaphore_mem>> -> memref<1x1x!tpu.dma_semaphore, #tpu.memory_space<semaphore_mem>>
    %dma_start3A_36 = tpu.memref_squeeze %dma_start3A_35 : memref<1x1x!tpu.dma_semaphore, #tpu.memory_space<semaphore_mem>> -> memref<!tpu.dma_semaphore, #tpu.memory_space<semaphore_mem>>
    tpu.enqueue_indirect_dma source(%dma_start3A_34 : memref<1000x128xi32, #tpu.memory_space<hbm>>) target(%arg11 : memref<80x128xi32, #tpu.memory_space<vmem>>) offsets(%dma_start3A_31 : memref<80xi32, #tpu.memory_space<vmem>>) semaphore(%dma_start3A_36 : memref<!tpu.dma_semaphore, #tpu.memory_space<semaphore_mem>>)
    %add3A_37 = arith.constant 0 : i32
    %add3A_38 = arith.addi %mul3A_2, %add3A_37 : i32
    %dma_start3A_39 = arith.constant 0 : i32
    %dma_start3A_40 = arith.constant 0 : i32
    %dma_start3A_41 = arith.constant 0 : i32
    %dma_start3A_42 = tpu.memref_slice %arg6[%add3A_38, %dma_start3A_41] : memref<25600x128xi32, #tpu.memory_space<hbm>> -> memref<80x128xi32, #tpu.memory_space<hbm>>
    %dma_start3A_43 = tpu.memref_slice %arg15[%dma_start3A_39, %dma_start3A_40] : memref<2x2x!tpu.dma_semaphore, #tpu.memory_space<semaphore_mem>> -> memref<1x1x!tpu.dma_semaphore, #tpu.memory_space<semaphore_mem>>
    %dma_start3A_44 = tpu.memref_squeeze %dma_start3A_43 : memref<1x1x!tpu.dma_semaphore, #tpu.memory_space<semaphore_mem>> -> memref<!tpu.dma_semaphore, #tpu.memory_space<semaphore_mem>>
    %dma_start3A_45 = arith.constant 0 : i32
    %dma_start3A_46 = tpu.memref_slice %arg6[%add3A_38, %dma_start3A_45] : memref<25600x128xi32, #tpu.memory_space<hbm>> -> memref<80x128xi32, #tpu.memory_space<hbm>>
    tpu.enqueue_dma source(%arg10 : memref<80x128xi32, #tpu.memory_space<vmem>>) target(%dma_start3A_46 : memref<80x128xi32, #tpu.memory_space<hbm>>) target_semaphore(%dma_start3A_44 : memref<!tpu.dma_semaphore, #tpu.memory_space<semaphore_mem>>)
    %dma_wait3A_47 = arith.constant 1 : i32
    %dma_wait3A_48 = arith.constant 0 : i32
    %dma_wait3A_49 = arith.constant 0 : i32
    %dma_wait3A_50 = tpu.memref_slice %arg9[%dma_wait3A_49] : memref<800xi32, #tpu.memory_space<vmem>> -> memref<80xi32, #tpu.memory_space<vmem>>
    %dma_wait3A_51 = arith.constant 0 : i32
    %dma_wait3A_52 = arith.constant 0 : i32
    %dma_wait3A_53 = tpu.memref_slice %arg3[%dma_wait3A_51, %dma_wait3A_52] : memref<4096x128xi32, #tpu.memory_space<hbm>> -> memref<4096x128xi32, #tpu.memory_space<hbm>>
    %dma_wait3A_54 = tpu.memref_slice %arg14[%dma_wait3A_47, %dma_wait3A_48] : memref<2x2x!tpu.dma_semaphore, #tpu.memory_space<semaphore_mem>> -> memref<1x1x!tpu.dma_semaphore, #tpu.memory_space<semaphore_mem>>
    %dma_wait3A_55 = tpu.memref_squeeze %dma_wait3A_54 : memref<1x1x!tpu.dma_semaphore, #tpu.memory_space<semaphore_mem>> -> memref<!tpu.dma_semaphore, #tpu.memory_space<semaphore_mem>>
    tpu.wait_indirect_dma semaphore(%dma_wait3A_55 : memref<!tpu.dma_semaphore, #tpu.memory_space<semaphore_mem>>) src(%dma_wait3A_53 : memref<4096x128xi32, #tpu.memory_space<hbm>>) dst(%arg12 : memref<80x128xi32, #tpu.memory_space<vmem>>)
    %dma_start3A_56 = arith.constant 1 : i32
    %dma_start3A_57 = arith.constant 1 : i32
    %dma_start3A_58 = arith.constant 80 : i32
    %dma_start3A_59 = tpu.memref_slice %arg9[%dma_start3A_58] : memref<800xi32, #tpu.memory_space<vmem>> -> memref<80xi32, #tpu.memory_space<vmem>>
    %dma_start3A_60 = arith.constant 0 : i32
    %dma_start3A_61 = arith.constant 0 : i32
    %dma_start3A_62 = tpu.memref_slice %arg3[%dma_start3A_60, %dma_start3A_61] : memref<4096x128xi32, #tpu.memory_space<hbm>> -> memref<4096x128xi32, #tpu.memory_space<hbm>>
    %dma_start3A_63 = tpu.memref_slice %arg14[%dma_start3A_56, %dma_start3A_57] : memref<2x2x!tpu.dma_semaphore, #tpu.memory_space<semaphore_mem>> -> memref<1x1x!tpu.dma_semaphore, #tpu.memory_space<semaphore_mem>>
    %dma_start3A_64 = tpu.memref_squeeze %dma_start3A_63 : memref<1x1x!tpu.dma_semaphore, #tpu.memory_space<semaphore_mem>> -> memref<!tpu.dma_semaphore, #tpu.memory_space<semaphore_mem>>
    tpu.enqueue_indirect_dma source(%dma_start3A_62 : memref<4096x128xi32, #tpu.memory_space<hbm>>) target(%arg13 : memref<80x128xi32, #tpu.memory_space<vmem>>) offsets(%dma_start3A_59 : memref<80xi32, #tpu.memory_space<vmem>>) semaphore(%dma_start3A_64 : memref<!tpu.dma_semaphore, #tpu.memory_space<semaphore_mem>>)
    %add3A_65 = arith.constant 0 : i32
    %add3A_66 = arith.addi %mul3A_2, %add3A_65 : i32
    %dma_start3A_67 = arith.constant 1 : i32
    %dma_start3A_68 = arith.constant 0 : i32
    %dma_start3A_69 = arith.constant 0 : i32
    %dma_start3A_70 = tpu.memref_slice %arg7[%add3A_66, %dma_start3A_69] : memref<25600x128xi32, #tpu.memory_space<hbm>> -> memref<80x128xi32, #tpu.memory_space<hbm>>
    %dma_start3A_71 = tpu.memref_slice %arg15[%dma_start3A_67, %dma_start3A_68] : memref<2x2x!tpu.dma_semaphore, #tpu.memory_space<semaphore_mem>> -> memref<1x1x!tpu.dma_semaphore, #tpu.memory_space<semaphore_mem>>
    %dma_start3A_72 = tpu.memref_squeeze %dma_start3A_71 : memref<1x1x!tpu.dma_semaphore, #tpu.memory_space<semaphore_mem>> -> memref<!tpu.dma_semaphore, #tpu.memory_space<semaphore_mem>>
    %dma_start3A_73 = arith.constant 0 : i32
    %dma_start3A_74 = tpu.memref_slice %arg7[%add3A_66, %dma_start3A_73] : memref<25600x128xi32, #tpu.memory_space<hbm>> -> memref<80x128xi32, #tpu.memory_space<hbm>>
    tpu.enqueue_dma source(%arg12 : memref<80x128xi32, #tpu.memory_space<vmem>>) target(%dma_start3A_74 : memref<80x128xi32, #tpu.memory_space<hbm>>) target_semaphore(%dma_start3A_72 : memref<!tpu.dma_semaphore, #tpu.memory_space<semaphore_mem>>)
    %scan3A = arith.constant 0 : i32
    %scan3A_75 = arith.constant 4 : i32
    %scan3A_76 = arith.addi %scan3A, %scan3A_75 : i32
    %scan3A_77 = arith.constant 1 : i32
    scf.for %scan3A_157 = %scan3A to %scan3A_76 step %scan3A_77  : i32 {
      %mul3A_158 = arith.constant 1 : i32
      %mul3A_159 = arith.muli %scan3A_157, %mul3A_158 : i32
      %add3A_160 = arith.constant 0 : i32
      %add3A_161 = arith.addi %add3A_160, %mul3A_159 : i32
      %mul3A_162 = arith.constant 2 : i32
      %mul3A_163 = arith.muli %mul3A_162, %add3A_161 : i32
      %add3A_164 = arith.constant 1 : i32
      %add3A_165 = arith.addi %mul3A_163, %add3A_164 : i32
      %mul3A_166 = arith.constant 80 : i32
      %mul3A_167 = arith.muli %add3A_165, %mul3A_166 : i32
      %dma_wait3A_168 = arith.constant 0 : i32
      %dma_wait3A_169 = arith.constant 1 : i32
      %dma_wait3A_170 = tpu.memref_slice %arg8[%mul3A_167] : memref<800xi32, #tpu.memory_space<vmem>> -> memref<80xi32, #tpu.memory_space<vmem>>
      %dma_wait3A_171 = arith.constant 0 : i32
      %dma_wait3A_172 = arith.constant 0 : i32
      %dma_wait3A_173 = tpu.memref_slice %arg2[%dma_wait3A_171, %dma_wait3A_172] : memref<1000x128xi32, #tpu.memory_space<hbm>> -> memref<1000x128xi32, #tpu.memory_space<hbm>>
      %dma_wait3A_174 = tpu.memref_slice %arg14[%dma_wait3A_168, %dma_wait3A_169] : memref<2x2x!tpu.dma_semaphore, #tpu.memory_space<semaphore_mem>> -> memref<1x1x!tpu.dma_semaphore, #tpu.memory_space<semaphore_mem>>
      %dma_wait3A_175 = tpu.memref_squeeze %dma_wait3A_174 : memref<1x1x!tpu.dma_semaphore, #tpu.memory_space<semaphore_mem>> -> memref<!tpu.dma_semaphore, #tpu.memory_space<semaphore_mem>>
      tpu.wait_indirect_dma semaphore(%dma_wait3A_175 : memref<!tpu.dma_semaphore, #tpu.memory_space<semaphore_mem>>) src(%dma_wait3A_173 : memref<1000x128xi32, #tpu.memory_space<hbm>>) dst(%arg11 : memref<80x128xi32, #tpu.memory_space<vmem>>)
      %sub3A = arith.constant 1 : i32
      %sub3A_176 = arith.subi %add3A_165, %sub3A : i32
      %mul3A_177 = arith.constant 80 : i32
      %mul3A_178 = arith.muli %sub3A_176, %mul3A_177 : i32
      %add3A_179 = arith.addi %mul3A_2, %mul3A_178 : i32
      %dma_wait3A_180 = arith.constant 0 : i32
      %dma_wait3A_181 = arith.constant 0 : i32
      %dma_wait3A_182 = arith.constant 0 : i32
      %dma_wait3A_183 = tpu.memref_slice %arg6[%add3A_179, %dma_wait3A_182] : memref<25600x128xi32, #tpu.memory_space<hbm>> -> memref<80x128xi32, #tpu.memory_space<hbm>>
      %dma_wait3A_184 = tpu.memref_slice %arg15[%dma_wait3A_180, %dma_wait3A_181] : memref<2x2x!tpu.dma_semaphore, #tpu.memory_space<semaphore_mem>> -> memref<1x1x!tpu.dma_semaphore, #tpu.memory_space<semaphore_mem>>
      %dma_wait3A_185 = tpu.memref_squeeze %dma_wait3A_184 : memref<1x1x!tpu.dma_semaphore, #tpu.memory_space<semaphore_mem>> -> memref<!tpu.dma_semaphore, #tpu.memory_space<semaphore_mem>>
      %dma_wait3A_186 = arith.constant 0 : i32
      %dma_wait3A_187 = tpu.memref_slice %arg6[%add3A_179, %dma_wait3A_186] : memref<25600x128xi32, #tpu.memory_space<hbm>> -> memref<80x128xi32, #tpu.memory_space<hbm>>
      tpu.wait_dma2 semaphore(%dma_wait3A_185 : memref<!tpu.dma_semaphore, #tpu.memory_space<semaphore_mem>>) src(%arg10 : memref<80x128xi32, #tpu.memory_space<vmem>>) dst(%dma_wait3A_187 : memref<80x128xi32, #tpu.memory_space<hbm>>)
      %add3A_188 = arith.constant 1 : i32
      %add3A_189 = arith.addi %add3A_165, %add3A_188 : i32
      %mul3A_190 = arith.constant 80 : i32
      %mul3A_191 = arith.muli %add3A_189, %mul3A_190 : i32
      %dma_start3A_192 = arith.constant 0 : i32
      %dma_start3A_193 = arith.constant 0 : i32
      %dma_start3A_194 = tpu.memref_slice %arg8[%mul3A_191] : memref<800xi32, #tpu.memory_space<vmem>> -> memref<80xi32, #tpu.memory_space<vmem>>
      %dma_start3A_195 = arith.constant 0 : i32
      %dma_start3A_196 = arith.constant 0 : i32
      %dma_start3A_197 = tpu.memref_slice %arg2[%dma_start3A_195, %dma_start3A_196] : memref<1000x128xi32, #tpu.memory_space<hbm>> -> memref<1000x128xi32, #tpu.memory_space<hbm>>
      %dma_start3A_198 = tpu.memref_slice %arg14[%dma_start3A_192, %dma_start3A_193] : memref<2x2x!tpu.dma_semaphore, #tpu.memory_space<semaphore_mem>> -> memref<1x1x!tpu.dma_semaphore, #tpu.memory_space<semaphore_mem>>
      %dma_start3A_199 = tpu.memref_squeeze %dma_start3A_198 : memref<1x1x!tpu.dma_semaphore, #tpu.memory_space<semaphore_mem>> -> memref<!tpu.dma_semaphore, #tpu.memory_space<semaphore_mem>>
      tpu.enqueue_indirect_dma source(%dma_start3A_197 : memref<1000x128xi32, #tpu.memory_space<hbm>>) target(%arg10 : memref<80x128xi32, #tpu.memory_space<vmem>>) offsets(%dma_start3A_194 : memref<80xi32, #tpu.memory_space<vmem>>) semaphore(%dma_start3A_199 : memref<!tpu.dma_semaphore, #tpu.memory_space<semaphore_mem>>)
      %mul3A_200 = arith.constant 80 : i32
      %mul3A_201 = arith.muli %add3A_165, %mul3A_200 : i32
      %add3A_202 = arith.addi %mul3A_2, %mul3A_201 : i32
      %dma_start3A_203 = arith.constant 0 : i32
      %dma_start3A_204 = arith.constant 1 : i32
      %dma_start3A_205 = arith.constant 0 : i32
      %dma_start3A_206 = tpu.memref_slice %arg6[%add3A_202, %dma_start3A_205] : memref<25600x128xi32, #tpu.memory_space<hbm>> -> memref<80x128xi32, #tpu.memory_space<hbm>>
      %dma_start3A_207 = tpu.memref_slice %arg15[%dma_start3A_203, %dma_start3A_204] : memref<2x2x!tpu.dma_semaphore, #tpu.memory_space<semaphore_mem>> -> memref<1x1x!tpu.dma_semaphore, #tpu.memory_space<semaphore_mem>>
      %dma_start3A_208 = tpu.memref_squeeze %dma_start3A_207 : memref<1x1x!tpu.dma_semaphore, #tpu.memory_space<semaphore_mem>> -> memref<!tpu.dma_semaphore, #tpu.memory_space<semaphore_mem>>
      %dma_start3A_209 = arith.constant 0 : i32
      %dma_start3A_210 = tpu.memref_slice %arg6[%add3A_202, %dma_start3A_209] : memref<25600x128xi32, #tpu.memory_space<hbm>> -> memref<80x128xi32, #tpu.memory_space<hbm>>
      tpu.enqueue_dma source(%arg11 : memref<80x128xi32, #tpu.memory_space<vmem>>) target(%dma_start3A_210 : memref<80x128xi32, #tpu.memory_space<hbm>>) target_semaphore(%dma_start3A_208 : memref<!tpu.dma_semaphore, #tpu.memory_space<semaphore_mem>>)
      %mul3A_211 = arith.constant 80 : i32
      %mul3A_212 = arith.muli %add3A_165, %mul3A_211 : i32
      %dma_wait3A_213 = arith.constant 1 : i32
      %dma_wait3A_214 = arith.constant 1 : i32
      %dma_wait3A_215 = tpu.memref_slice %arg9[%mul3A_212] : memref<800xi32, #tpu.memory_space<vmem>> -> memref<80xi32, #tpu.memory_space<vmem>>
      %dma_wait3A_216 = arith.constant 0 : i32
      %dma_wait3A_217 = arith.constant 0 : i32
      %dma_wait3A_218 = tpu.memref_slice %arg3[%dma_wait3A_216, %dma_wait3A_217] : memref<4096x128xi32, #tpu.memory_space<hbm>> -> memref<4096x128xi32, #tpu.memory_space<hbm>>
      %dma_wait3A_219 = tpu.memref_slice %arg14[%dma_wait3A_213, %dma_wait3A_214] : memref<2x2x!tpu.dma_semaphore, #tpu.memory_space<semaphore_mem>> -> memref<1x1x!tpu.dma_semaphore, #tpu.memory_space<semaphore_mem>>
      %dma_wait3A_220 = tpu.memref_squeeze %dma_wait3A_219 : memref<1x1x!tpu.dma_semaphore, #tpu.memory_space<semaphore_mem>> -> memref<!tpu.dma_semaphore, #tpu.memory_space<semaphore_mem>>
      tpu.wait_indirect_dma semaphore(%dma_wait3A_220 : memref<!tpu.dma_semaphore, #tpu.memory_space<semaphore_mem>>) src(%dma_wait3A_218 : memref<4096x128xi32, #tpu.memory_space<hbm>>) dst(%arg13 : memref<80x128xi32, #tpu.memory_space<vmem>>)
      %sub3A_221 = arith.constant 1 : i32
      %sub3A_222 = arith.subi %add3A_165, %sub3A_221 : i32
      %mul3A_223 = arith.constant 80 : i32
      %mul3A_224 = arith.muli %sub3A_222, %mul3A_223 : i32
      %add3A_225 = arith.addi %mul3A_2, %mul3A_224 : i32
      %dma_wait3A_226 = arith.constant 1 : i32
      %dma_wait3A_227 = arith.constant 0 : i32
      %dma_wait3A_228 = arith.constant 0 : i32
      %dma_wait3A_229 = tpu.memref_slice %arg7[%add3A_225, %dma_wait3A_228] : memref<25600x128xi32, #tpu.memory_space<hbm>> -> memref<80x128xi32, #tpu.memory_space<hbm>>
      %dma_wait3A_230 = tpu.memref_slice %arg15[%dma_wait3A_226, %dma_wait3A_227] : memref<2x2x!tpu.dma_semaphore, #tpu.memory_space<semaphore_mem>> -> memref<1x1x!tpu.dma_semaphore, #tpu.memory_space<semaphore_mem>>
      %dma_wait3A_231 = tpu.memref_squeeze %dma_wait3A_230 : memref<1x1x!tpu.dma_semaphore, #tpu.memory_space<semaphore_mem>> -> memref<!tpu.dma_semaphore, #tpu.memory_space<semaphore_mem>>
      %dma_wait3A_232 = arith.constant 0 : i32
      %dma_wait3A_233 = tpu.memref_slice %arg7[%add3A_225, %dma_wait3A_232] : memref<25600x128xi32, #tpu.memory_space<hbm>> -> memref<80x128xi32, #tpu.memory_space<hbm>>
      tpu.wait_dma2 semaphore(%dma_wait3A_231 : memref<!tpu.dma_semaphore, #tpu.memory_space<semaphore_mem>>) src(%arg12 : memref<80x128xi32, #tpu.memory_space<vmem>>) dst(%dma_wait3A_233 : memref<80x128xi32, #tpu.memory_space<hbm>>)
      %add3A_234 = arith.constant 1 : i32
      %add3A_235 = arith.addi %add3A_165, %add3A_234 : i32
      %mul3A_236 = arith.constant 80 : i32
      %mul3A_237 = arith.muli %add3A_235, %mul3A_236 : i32
      %dma_start3A_238 = arith.constant 1 : i32
      %dma_start3A_239 = arith.constant 0 : i32
      %dma_start3A_240 = tpu.memref_slice %arg9[%mul3A_237] : memref<800xi32, #tpu.memory_space<vmem>> -> memref<80xi32, #tpu.memory_space<vmem>>
      %dma_start3A_241 = arith.constant 0 : i32
      %dma_start3A_242 = arith.constant 0 : i32
      %dma_start3A_243 = tpu.memref_slice %arg3[%dma_start3A_241, %dma_start3A_242] : memref<4096x128xi32, #tpu.memory_space<hbm>> -> memref<4096x128xi32, #tpu.memory_space<hbm>>
      %dma_start3A_244 = tpu.memref_slice %arg14[%dma_start3A_238, %dma_start3A_239] : memref<2x2x!tpu.dma_semaphore, #tpu.memory_space<semaphore_mem>> -> memref<1x1x!tpu.dma_semaphore, #tpu.memory_space<semaphore_mem>>
      %dma_start3A_245 = tpu.memref_squeeze %dma_start3A_244 : memref<1x1x!tpu.dma_semaphore, #tpu.memory_space<semaphore_mem>> -> memref<!tpu.dma_semaphore, #tpu.memory_space<semaphore_mem>>
      tpu.enqueue_indirect_dma source(%dma_start3A_243 : memref<4096x128xi32, #tpu.memory_space<hbm>>) target(%arg12 : memref<80x128xi32, #tpu.memory_space<vmem>>) offsets(%dma_start3A_240 : memref<80xi32, #tpu.memory_space<vmem>>) semaphore(%dma_start3A_245 : memref<!tpu.dma_semaphore, #tpu.memory_space<semaphore_mem>>)
      %mul3A_246 = arith.constant 80 : i32
      %mul3A_247 = arith.muli %add3A_165, %mul3A_246 : i32
      %add3A_248 = arith.addi %mul3A_2, %mul3A_247 : i32
      %dma_start3A_249 = arith.constant 1 : i32
      %dma_start3A_250 = arith.constant 1 : i32
      %dma_start3A_251 = arith.constant 0 : i32
      %dma_start3A_252 = tpu.memref_slice %arg7[%add3A_248, %dma_start3A_251] : memref<25600x128xi32, #tpu.memory_space<hbm>> -> memref<80x128xi32, #tpu.memory_space<hbm>>
      %dma_start3A_253 = tpu.memref_slice %arg15[%dma_start3A_249, %dma_start3A_250] : memref<2x2x!tpu.dma_semaphore, #tpu.memory_space<semaphore_mem>> -> memref<1x1x!tpu.dma_semaphore, #tpu.memory_space<semaphore_mem>>
      %dma_start3A_254 = tpu.memref_squeeze %dma_start3A_253 : memref<1x1x!tpu.dma_semaphore, #tpu.memory_space<semaphore_mem>> -> memref<!tpu.dma_semaphore, #tpu.memory_space<semaphore_mem>>
      %dma_start3A_255 = arith.constant 0 : i32
      %dma_start3A_256 = tpu.memref_slice %arg7[%add3A_248, %dma_start3A_255] : memref<25600x128xi32, #tpu.memory_space<hbm>> -> memref<80x128xi32, #tpu.memory_space<hbm>>
      tpu.enqueue_dma source(%arg13 : memref<80x128xi32, #tpu.memory_space<vmem>>) target(%dma_start3A_256 : memref<80x128xi32, #tpu.memory_space<hbm>>) target_semaphore(%dma_start3A_254 : memref<!tpu.dma_semaphore, #tpu.memory_space<semaphore_mem>>)
      %mul3A_257 = arith.constant 2 : i32
      %mul3A_258 = arith.muli %mul3A_257, %add3A_161 : i32
      %add3A_259 = arith.constant 2 : i32
      %add3A_260 = arith.addi %mul3A_258, %add3A_259 : i32
      %mul3A_261 = arith.constant 80 : i32
      %mul3A_262 = arith.muli %add3A_260, %mul3A_261 : i32
      %dma_wait3A_263 = arith.constant 0 : i32
      %dma_wait3A_264 = arith.constant 0 : i32
      %dma_wait3A_265 = tpu.memref_slice %arg8[%mul3A_262] : memref<800xi32, #tpu.memory_space<vmem>> -> memref<80xi32, #tpu.memory_space<vmem>>
      %dma_wait3A_266 = arith.constant 0 : i32
      %dma_wait3A_267 = arith.constant 0 : i32
      %dma_wait3A_268 = tpu.memref_slice %arg2[%dma_wait3A_266, %dma_wait3A_267] : memref<1000x128xi32, #tpu.memory_space<hbm>> -> memref<1000x128xi32, #tpu.memory_space<hbm>>
      %dma_wait3A_269 = tpu.memref_slice %arg14[%dma_wait3A_263, %dma_wait3A_264] : memref<2x2x!tpu.dma_semaphore, #tpu.memory_space<semaphore_mem>> -> memref<1x1x!tpu.dma_semaphore, #tpu.memory_space<semaphore_mem>>
      %dma_wait3A_270 = tpu.memref_squeeze %dma_wait3A_269 : memref<1x1x!tpu.dma_semaphore, #tpu.memory_space<semaphore_mem>> -> memref<!tpu.dma_semaphore, #tpu.memory_space<semaphore_mem>>
      tpu.wait_indirect_dma semaphore(%dma_wait3A_270 : memref<!tpu.dma_semaphore, #tpu.memory_space<semaphore_mem>>) src(%dma_wait3A_268 : memref<1000x128xi32, #tpu.memory_space<hbm>>) dst(%arg10 : memref<80x128xi32, #tpu.memory_space<vmem>>)
      %sub3A_271 = arith.constant 1 : i32
      %sub3A_272 = arith.subi %add3A_260, %sub3A_271 : i32
      %mul3A_273 = arith.constant 80 : i32
      %mul3A_274 = arith.muli %sub3A_272, %mul3A_273 : i32
      %add3A_275 = arith.addi %mul3A_2, %mul3A_274 : i32
      %dma_wait3A_276 = arith.constant 0 : i32
      %dma_wait3A_277 = arith.constant 1 : i32
      %dma_wait3A_278 = arith.constant 0 : i32
      %dma_wait3A_279 = tpu.memref_slice %arg6[%add3A_275, %dma_wait3A_278] : memref<25600x128xi32, #tpu.memory_space<hbm>> -> memref<80x128xi32, #tpu.memory_space<hbm>>
      %dma_wait3A_280 = tpu.memref_slice %arg15[%dma_wait3A_276, %dma_wait3A_277] : memref<2x2x!tpu.dma_semaphore, #tpu.memory_space<semaphore_mem>> -> memref<1x1x!tpu.dma_semaphore, #tpu.memory_space<semaphore_mem>>
      %dma_wait3A_281 = tpu.memref_squeeze %dma_wait3A_280 : memref<1x1x!tpu.dma_semaphore, #tpu.memory_space<semaphore_mem>> -> memref<!tpu.dma_semaphore, #tpu.memory_space<semaphore_mem>>
      %dma_wait3A_282 = arith.constant 0 : i32
      %dma_wait3A_283 = tpu.memref_slice %arg6[%add3A_275, %dma_wait3A_282] : memref<25600x128xi32, #tpu.memory_space<hbm>> -> memref<80x128xi32, #tpu.memory_space<hbm>>
      tpu.wait_dma2 semaphore(%dma_wait3A_281 : memref<!tpu.dma_semaphore, #tpu.memory_space<semaphore_mem>>) src(%arg11 : memref<80x128xi32, #tpu.memory_space<vmem>>) dst(%dma_wait3A_283 : memref<80x128xi32, #tpu.memory_space<hbm>>)
      %add3A_284 = arith.constant 1 : i32
      %add3A_285 = arith.addi %add3A_260, %add3A_284 : i32
      %mul3A_286 = arith.constant 80 : i32
      %mul3A_287 = arith.muli %add3A_285, %mul3A_286 : i32
      %dma_start3A_288 = arith.constant 0 : i32
      %dma_start3A_289 = arith.constant 1 : i32
      %dma_start3A_290 = tpu.memref_slice %arg8[%mul3A_287] : memref<800xi32, #tpu.memory_space<vmem>> -> memref<80xi32, #tpu.memory_space<vmem>>
      %dma_start3A_291 = arith.constant 0 : i32
      %dma_start3A_292 = arith.constant 0 : i32
      %dma_start3A_293 = tpu.memref_slice %arg2[%dma_start3A_291, %dma_start3A_292] : memref<1000x128xi32, #tpu.memory_space<hbm>> -> memref<1000x128xi32, #tpu.memory_space<hbm>>
      %dma_start3A_294 = tpu.memref_slice %arg14[%dma_start3A_288, %dma_start3A_289] : memref<2x2x!tpu.dma_semaphore, #tpu.memory_space<semaphore_mem>> -> memref<1x1x!tpu.dma_semaphore, #tpu.memory_space<semaphore_mem>>
      %dma_start3A_295 = tpu.memref_squeeze %dma_start3A_294 : memref<1x1x!tpu.dma_semaphore, #tpu.memory_space<semaphore_mem>> -> memref<!tpu.dma_semaphore, #tpu.memory_space<semaphore_mem>>
      tpu.enqueue_indirect_dma source(%dma_start3A_293 : memref<1000x128xi32, #tpu.memory_space<hbm>>) target(%arg11 : memref<80x128xi32, #tpu.memory_space<vmem>>) offsets(%dma_start3A_290 : memref<80xi32, #tpu.memory_space<vmem>>) semaphore(%dma_start3A_295 : memref<!tpu.dma_semaphore, #tpu.memory_space<semaphore_mem>>)
      %mul3A_296 = arith.constant 80 : i32
      %mul3A_297 = arith.muli %add3A_260, %mul3A_296 : i32
      %add3A_298 = arith.addi %mul3A_2, %mul3A_297 : i32
      %dma_start3A_299 = arith.constant 0 : i32
      %dma_start3A_300 = arith.constant 0 : i32
      %dma_start3A_301 = arith.constant 0 : i32
      %dma_start3A_302 = tpu.memref_slice %arg6[%add3A_298, %dma_start3A_301] : memref<25600x128xi32, #tpu.memory_space<hbm>> -> memref<80x128xi32, #tpu.memory_space<hbm>>
      %dma_start3A_303 = tpu.memref_slice %arg15[%dma_start3A_299, %dma_start3A_300] : memref<2x2x!tpu.dma_semaphore, #tpu.memory_space<semaphore_mem>> -> memref<1x1x!tpu.dma_semaphore, #tpu.memory_space<semaphore_mem>>
      %dma_start3A_304 = tpu.memref_squeeze %dma_start3A_303 : memref<1x1x!tpu.dma_semaphore, #tpu.memory_space<semaphore_mem>> -> memref<!tpu.dma_semaphore, #tpu.memory_space<semaphore_mem>>
      %dma_start3A_305 = arith.constant 0 : i32
      %dma_start3A_306 = tpu.memref_slice %arg6[%add3A_298, %dma_start3A_305] : memref<25600x128xi32, #tpu.memory_space<hbm>> -> memref<80x128xi32, #tpu.memory_space<hbm>>
      tpu.enqueue_dma source(%arg10 : memref<80x128xi32, #tpu.memory_space<vmem>>) target(%dma_start3A_306 : memref<80x128xi32, #tpu.memory_space<hbm>>) target_semaphore(%dma_start3A_304 : memref<!tpu.dma_semaphore, #tpu.memory_space<semaphore_mem>>)
      %mul3A_307 = arith.constant 80 : i32
      %mul3A_308 = arith.muli %add3A_260, %mul3A_307 : i32
      %dma_wait3A_309 = arith.constant 1 : i32
      %dma_wait3A_310 = arith.constant 0 : i32
      %dma_wait3A_311 = tpu.memref_slice %arg9[%mul3A_308] : memref<800xi32, #tpu.memory_space<vmem>> -> memref<80xi32, #tpu.memory_space<vmem>>
      %dma_wait3A_312 = arith.constant 0 : i32
      %dma_wait3A_313 = arith.constant 0 : i32
      %dma_wait3A_314 = tpu.memref_slice %arg3[%dma_wait3A_312, %dma_wait3A_313] : memref<4096x128xi32, #tpu.memory_space<hbm>> -> memref<4096x128xi32, #tpu.memory_space<hbm>>
      %dma_wait3A_315 = tpu.memref_slice %arg14[%dma_wait3A_309, %dma_wait3A_310] : memref<2x2x!tpu.dma_semaphore, #tpu.memory_space<semaphore_mem>> -> memref<1x1x!tpu.dma_semaphore, #tpu.memory_space<semaphore_mem>>
      %dma_wait3A_316 = tpu.memref_squeeze %dma_wait3A_315 : memref<1x1x!tpu.dma_semaphore, #tpu.memory_space<semaphore_mem>> -> memref<!tpu.dma_semaphore, #tpu.memory_space<semaphore_mem>>
      tpu.wait_indirect_dma semaphore(%dma_wait3A_316 : memref<!tpu.dma_semaphore, #tpu.memory_space<semaphore_mem>>) src(%dma_wait3A_314 : memref<4096x128xi32, #tpu.memory_space<hbm>>) dst(%arg12 : memref<80x128xi32, #tpu.memory_space<vmem>>)
      %sub3A_317 = arith.constant 1 : i32
      %sub3A_318 = arith.subi %add3A_260, %sub3A_317 : i32
      %mul3A_319 = arith.constant 80 : i32
      %mul3A_320 = arith.muli %sub3A_318, %mul3A_319 : i32
      %add3A_321 = arith.addi %mul3A_2, %mul3A_320 : i32
      %dma_wait3A_322 = arith.constant 1 : i32
      %dma_wait3A_323 = arith.constant 1 : i32
      %dma_wait3A_324 = arith.constant 0 : i32
      %dma_wait3A_325 = tpu.memref_slice %arg7[%add3A_321, %dma_wait3A_324] : memref<25600x128xi32, #tpu.memory_space<hbm>> -> memref<80x128xi32, #tpu.memory_space<hbm>>
      %dma_wait3A_326 = tpu.memref_slice %arg15[%dma_wait3A_322, %dma_wait3A_323] : memref<2x2x!tpu.dma_semaphore, #tpu.memory_space<semaphore_mem>> -> memref<1x1x!tpu.dma_semaphore, #tpu.memory_space<semaphore_mem>>
      %dma_wait3A_327 = tpu.memref_squeeze %dma_wait3A_326 : memref<1x1x!tpu.dma_semaphore, #tpu.memory_space<semaphore_mem>> -> memref<!tpu.dma_semaphore, #tpu.memory_space<semaphore_mem>>
      %dma_wait3A_328 = arith.constant 0 : i32
      %dma_wait3A_329 = tpu.memref_slice %arg7[%add3A_321, %dma_wait3A_328] : memref<25600x128xi32, #tpu.memory_space<hbm>> -> memref<80x128xi32, #tpu.memory_space<hbm>>
      tpu.wait_dma2 semaphore(%dma_wait3A_327 : memref<!tpu.dma_semaphore, #tpu.memory_space<semaphore_mem>>) src(%arg13 : memref<80x128xi32, #tpu.memory_space<vmem>>) dst(%dma_wait3A_329 : memref<80x128xi32, #tpu.memory_space<hbm>>)
      %add3A_330 = arith.constant 1 : i32
      %add3A_331 = arith.addi %add3A_260, %add3A_330 : i32
      %mul3A_332 = arith.constant 80 : i32
      %mul3A_333 = arith.muli %add3A_331, %mul3A_332 : i32
      %dma_start3A_334 = arith.constant 1 : i32
      %dma_start3A_335 = arith.constant 1 : i32
      %dma_start3A_336 = tpu.memref_slice %arg9[%mul3A_333] : memref<800xi32, #tpu.memory_space<vmem>> -> memref<80xi32, #tpu.memory_space<vmem>>
      %dma_start3A_337 = arith.constant 0 : i32
      %dma_start3A_338 = arith.constant 0 : i32
      %dma_start3A_339 = tpu.memref_slice %arg3[%dma_start3A_337, %dma_start3A_338] : memref<4096x128xi32, #tpu.memory_space<hbm>> -> memref<4096x128xi32, #tpu.memory_space<hbm>>
      %dma_start3A_340 = tpu.memref_slice %arg14[%dma_start3A_334, %dma_start3A_335] : memref<2x2x!tpu.dma_semaphore, #tpu.memory_space<semaphore_mem>> -> memref<1x1x!tpu.dma_semaphore, #tpu.memory_space<semaphore_mem>>
      %dma_start3A_341 = tpu.memref_squeeze %dma_start3A_340 : memref<1x1x!tpu.dma_semaphore, #tpu.memory_space<semaphore_mem>> -> memref<!tpu.dma_semaphore, #tpu.memory_space<semaphore_mem>>
      tpu.enqueue_indirect_dma source(%dma_start3A_339 : memref<4096x128xi32, #tpu.memory_space<hbm>>) target(%arg13 : memref<80x128xi32, #tpu.memory_space<vmem>>) offsets(%dma_start3A_336 : memref<80xi32, #tpu.memory_space<vmem>>) semaphore(%dma_start3A_341 : memref<!tpu.dma_semaphore, #tpu.memory_space<semaphore_mem>>)
      %mul3A_342 = arith.constant 80 : i32
      %mul3A_343 = arith.muli %add3A_260, %mul3A_342 : i32
      %add3A_344 = arith.addi %mul3A_2, %mul3A_343 : i32
      %dma_start3A_345 = arith.constant 1 : i32
      %dma_start3A_346 = arith.constant 0 : i32
      %dma_start3A_347 = arith.constant 0 : i32
      %dma_start3A_348 = tpu.memref_slice %arg7[%add3A_344, %dma_start3A_347] : memref<25600x128xi32, #tpu.memory_space<hbm>> -> memref<80x128xi32, #tpu.memory_space<hbm>>
      %dma_start3A_349 = tpu.memref_slice %arg15[%dma_start3A_345, %dma_start3A_346] : memref<2x2x!tpu.dma_semaphore, #tpu.memory_space<semaphore_mem>> -> memref<1x1x!tpu.dma_semaphore, #tpu.memory_space<semaphore_mem>>
      %dma_start3A_350 = tpu.memref_squeeze %dma_start3A_349 : memref<1x1x!tpu.dma_semaphore, #tpu.memory_space<semaphore_mem>> -> memref<!tpu.dma_semaphore, #tpu.memory_space<semaphore_mem>>
      %dma_start3A_351 = arith.constant 0 : i32
      %dma_start3A_352 = tpu.memref_slice %arg7[%add3A_344, %dma_start3A_351] : memref<25600x128xi32, #tpu.memory_space<hbm>> -> memref<80x128xi32, #tpu.memory_space<hbm>>
      tpu.enqueue_dma source(%arg12 : memref<80x128xi32, #tpu.memory_space<vmem>>) target(%dma_start3A_352 : memref<80x128xi32, #tpu.memory_space<hbm>>) target_semaphore(%dma_start3A_350 : memref<!tpu.dma_semaphore, #tpu.memory_space<semaphore_mem>>)
    }
    %scan3A_78 = arith.constant 4 : i32
    %dma_wait3A_79 = arith.constant 0 : i32
    %dma_wait3A_80 = arith.constant 1 : i32
    %dma_wait3A_81 = arith.constant 720 : i32
    %dma_wait3A_82 = tpu.memref_slice %arg8[%dma_wait3A_81] : memref<800xi32, #tpu.memory_space<vmem>> -> memref<80xi32, #tpu.memory_space<vmem>>
    %dma_wait3A_83 = arith.constant 0 : i32
    %dma_wait3A_84 = arith.constant 0 : i32
    %dma_wait3A_85 = tpu.memref_slice %arg2[%dma_wait3A_83, %dma_wait3A_84] : memref<1000x128xi32, #tpu.memory_space<hbm>> -> memref<1000x128xi32, #tpu.memory_space<hbm>>
    %dma_wait3A_86 = tpu.memref_slice %arg14[%dma_wait3A_79, %dma_wait3A_80] : memref<2x2x!tpu.dma_semaphore, #tpu.memory_space<semaphore_mem>> -> memref<1x1x!tpu.dma_semaphore, #tpu.memory_space<semaphore_mem>>
    %dma_wait3A_87 = tpu.memref_squeeze %dma_wait3A_86 : memref<1x1x!tpu.dma_semaphore, #tpu.memory_space<semaphore_mem>> -> memref<!tpu.dma_semaphore, #tpu.memory_space<semaphore_mem>>
    tpu.wait_indirect_dma semaphore(%dma_wait3A_87 : memref<!tpu.dma_semaphore, #tpu.memory_space<semaphore_mem>>) src(%dma_wait3A_85 : memref<1000x128xi32, #tpu.memory_space<hbm>>) dst(%arg11 : memref<80x128xi32, #tpu.memory_space<vmem>>)
    %add3A_88 = arith.constant 640 : i32
    %add3A_89 = arith.addi %mul3A_2, %add3A_88 : i32
    %dma_wait3A_90 = arith.constant 0 : i32
    %dma_wait3A_91 = arith.constant 0 : i32
    %dma_wait3A_92 = arith.constant 0 : i32
    %dma_wait3A_93 = tpu.memref_slice %arg6[%add3A_89, %dma_wait3A_92] : memref<25600x128xi32, #tpu.memory_space<hbm>> -> memref<80x128xi32, #tpu.memory_space<hbm>>
    %dma_wait3A_94 = tpu.memref_slice %arg15[%dma_wait3A_90, %dma_wait3A_91] : memref<2x2x!tpu.dma_semaphore, #tpu.memory_space<semaphore_mem>> -> memref<1x1x!tpu.dma_semaphore, #tpu.memory_space<semaphore_mem>>
    %dma_wait3A_95 = tpu.memref_squeeze %dma_wait3A_94 : memref<1x1x!tpu.dma_semaphore, #tpu.memory_space<semaphore_mem>> -> memref<!tpu.dma_semaphore, #tpu.memory_space<semaphore_mem>>
    %dma_wait3A_96 = arith.constant 0 : i32
    %dma_wait3A_97 = tpu.memref_slice %arg6[%add3A_89, %dma_wait3A_96] : memref<25600x128xi32, #tpu.memory_space<hbm>> -> memref<80x128xi32, #tpu.memory_space<hbm>>
    tpu.wait_dma2 semaphore(%dma_wait3A_95 : memref<!tpu.dma_semaphore, #tpu.memory_space<semaphore_mem>>) src(%arg10 : memref<80x128xi32, #tpu.memory_space<vmem>>) dst(%dma_wait3A_97 : memref<80x128xi32, #tpu.memory_space<hbm>>)
    %add3A_98 = arith.constant 720 : i32
    %add3A_99 = arith.addi %mul3A_2, %add3A_98 : i32
    %dma_start3A_100 = arith.constant 0 : i32
    %dma_start3A_101 = arith.constant 1 : i32
    %dma_start3A_102 = arith.constant 0 : i32
    %dma_start3A_103 = tpu.memref_slice %arg6[%add3A_99, %dma_start3A_102] : memref<25600x128xi32, #tpu.memory_space<hbm>> -> memref<80x128xi32, #tpu.memory_space<hbm>>
    %dma_start3A_104 = tpu.memref_slice %arg15[%dma_start3A_100, %dma_start3A_101] : memref<2x2x!tpu.dma_semaphore, #tpu.memory_space<semaphore_mem>> -> memref<1x1x!tpu.dma_semaphore, #tpu.memory_space<semaphore_mem>>
    %dma_start3A_105 = tpu.memref_squeeze %dma_start3A_104 : memref<1x1x!tpu.dma_semaphore, #tpu.memory_space<semaphore_mem>> -> memref<!tpu.dma_semaphore, #tpu.memory_space<semaphore_mem>>
    %dma_start3A_106 = arith.constant 0 : i32
    %dma_start3A_107 = tpu.memref_slice %arg6[%add3A_99, %dma_start3A_106] : memref<25600x128xi32, #tpu.memory_space<hbm>> -> memref<80x128xi32, #tpu.memory_space<hbm>>
    tpu.enqueue_dma source(%arg11 : memref<80x128xi32, #tpu.memory_space<vmem>>) target(%dma_start3A_107 : memref<80x128xi32, #tpu.memory_space<hbm>>) target_semaphore(%dma_start3A_105 : memref<!tpu.dma_semaphore, #tpu.memory_space<semaphore_mem>>)
    %add3A_108 = arith.constant 720 : i32
    %add3A_109 = arith.addi %mul3A_2, %add3A_108 : i32
    %dma_wait3A_110 = arith.constant 0 : i32
    %dma_wait3A_111 = arith.constant 1 : i32
    %dma_wait3A_112 = arith.constant 0 : i32
    %dma_wait3A_113 = tpu.memref_slice %arg6[%add3A_109, %dma_wait3A_112] : memref<25600x128xi32, #tpu.memory_space<hbm>> -> memref<80x128xi32, #tpu.memory_space<hbm>>
    %dma_wait3A_114 = tpu.memref_slice %arg15[%dma_wait3A_110, %dma_wait3A_111] : memref<2x2x!tpu.dma_semaphore, #tpu.memory_space<semaphore_mem>> -> memref<1x1x!tpu.dma_semaphore, #tpu.memory_space<semaphore_mem>>
    %dma_wait3A_115 = tpu.memref_squeeze %dma_wait3A_114 : memref<1x1x!tpu.dma_semaphore, #tpu.memory_space<semaphore_mem>> -> memref<!tpu.dma_semaphore, #tpu.memory_space<semaphore_mem>>
    %dma_wait3A_116 = arith.constant 0 : i32
    %dma_wait3A_117 = tpu.memref_slice %arg6[%add3A_109, %dma_wait3A_116] : memref<25600x128xi32, #tpu.memory_space<hbm>> -> memref<80x128xi32, #tpu.memory_space<hbm>>
    tpu.wait_dma2 semaphore(%dma_wait3A_115 : memref<!tpu.dma_semaphore, #tpu.memory_space<semaphore_mem>>) src(%arg11 : memref<80x128xi32, #tpu.memory_space<vmem>>) dst(%dma_wait3A_117 : memref<80x128xi32, #tpu.memory_space<hbm>>)
    %dma_wait3A_118 = arith.constant 1 : i32
    %dma_wait3A_119 = arith.constant 1 : i32
    %dma_wait3A_120 = arith.constant 720 : i32
    %dma_wait3A_121 = tpu.memref_slice %arg9[%dma_wait3A_120] : memref<800xi32, #tpu.memory_space<vmem>> -> memref<80xi32, #tpu.memory_space<vmem>>
    %dma_wait3A_122 = arith.constant 0 : i32
    %dma_wait3A_123 = arith.constant 0 : i32
    %dma_wait3A_124 = tpu.memref_slice %arg3[%dma_wait3A_122, %dma_wait3A_123] : memref<4096x128xi32, #tpu.memory_space<hbm>> -> memref<4096x128xi32, #tpu.memory_space<hbm>>
    %dma_wait3A_125 = tpu.memref_slice %arg14[%dma_wait3A_118, %dma_wait3A_119] : memref<2x2x!tpu.dma_semaphore, #tpu.memory_space<semaphore_mem>> -> memref<1x1x!tpu.dma_semaphore, #tpu.memory_space<semaphore_mem>>
    %dma_wait3A_126 = tpu.memref_squeeze %dma_wait3A_125 : memref<1x1x!tpu.dma_semaphore, #tpu.memory_space<semaphore_mem>> -> memref<!tpu.dma_semaphore, #tpu.memory_space<semaphore_mem>>
    tpu.wait_indirect_dma semaphore(%dma_wait3A_126 : memref<!tpu.dma_semaphore, #tpu.memory_space<semaphore_mem>>) src(%dma_wait3A_124 : memref<4096x128xi32, #tpu.memory_space<hbm>>) dst(%arg13 : memref<80x128xi32, #tpu.memory_space<vmem>>)
    %add3A_127 = arith.constant 640 : i32
    %add3A_128 = arith.addi %mul3A_2, %add3A_127 : i32
    %dma_wait3A_129 = arith.constant 1 : i32
    %dma_wait3A_130 = arith.constant 0 : i32
    %dma_wait3A_131 = arith.constant 0 : i32
    %dma_wait3A_132 = tpu.memref_slice %arg7[%add3A_128, %dma_wait3A_131] : memref<25600x128xi32, #tpu.memory_space<hbm>> -> memref<80x128xi32, #tpu.memory_space<hbm>>
    %dma_wait3A_133 = tpu.memref_slice %arg15[%dma_wait3A_129, %dma_wait3A_130] : memref<2x2x!tpu.dma_semaphore, #tpu.memory_space<semaphore_mem>> -> memref<1x1x!tpu.dma_semaphore, #tpu.memory_space<semaphore_mem>>
    %dma_wait3A_134 = tpu.memref_squeeze %dma_wait3A_133 : memref<1x1x!tpu.dma_semaphore, #tpu.memory_space<semaphore_mem>> -> memref<!tpu.dma_semaphore, #tpu.memory_space<semaphore_mem>>
    %dma_wait3A_135 = arith.constant 0 : i32
    %dma_wait3A_136 = tpu.memref_slice %arg7[%add3A_128, %dma_wait3A_135] : memref<25600x128xi32, #tpu.memory_space<hbm>> -> memref<80x128xi32, #tpu.memory_space<hbm>>
    tpu.wait_dma2 semaphore(%dma_wait3A_134 : memref<!tpu.dma_semaphore, #tpu.memory_space<semaphore_mem>>) src(%arg12 : memref<80x128xi32, #tpu.memory_space<vmem>>) dst(%dma_wait3A_136 : memref<80x128xi32, #tpu.memory_space<hbm>>)
    %add3A_137 = arith.constant 720 : i32
    %add3A_138 = arith.addi %mul3A_2, %add3A_137 : i32
    %dma_start3A_139 = arith.constant 1 : i32
    %dma_start3A_140 = arith.constant 1 : i32
    %dma_start3A_141 = arith.constant 0 : i32
    %dma_start3A_142 = tpu.memref_slice %arg7[%add3A_138, %dma_start3A_141] : memref<25600x128xi32, #tpu.memory_space<hbm>> -> memref<80x128xi32, #tpu.memory_space<hbm>>
    %dma_start3A_143 = tpu.memref_slice %arg15[%dma_start3A_139, %dma_start3A_140] : memref<2x2x!tpu.dma_semaphore, #tpu.memory_space<semaphore_mem>> -> memref<1x1x!tpu.dma_semaphore, #tpu.memory_space<semaphore_mem>>
    %dma_start3A_144 = tpu.memref_squeeze %dma_start3A_143 : memref<1x1x!tpu.dma_semaphore, #tpu.memory_space<semaphore_mem>> -> memref<!tpu.dma_semaphore, #tpu.memory_space<semaphore_mem>>
    %dma_start3A_145 = arith.constant 0 : i32
    %dma_start3A_146 = tpu.memref_slice %arg7[%add3A_138, %dma_start3A_145] : memref<25600x128xi32, #tpu.memory_space<hbm>> -> memref<80x128xi32, #tpu.memory_space<hbm>>
    tpu.enqueue_dma source(%arg13 : memref<80x128xi32, #tpu.memory_space<vmem>>) target(%dma_start3A_146 : memref<80x128xi32, #tpu.memory_space<hbm>>) target_semaphore(%dma_start3A_144 : memref<!tpu.dma_semaphore, #tpu.memory_space<semaphore_mem>>)
    %add3A_147 = arith.constant 720 : i32
    %add3A_148 = arith.addi %mul3A_2, %add3A_147 : i32
    %dma_wait3A_149 = arith.constant 1 : i32
    %dma_wait3A_150 = arith.constant 1 : i32
    %dma_wait3A_151 = arith.constant 0 : i32
    %dma_wait3A_152 = tpu.memref_slice %arg7[%add3A_148, %dma_wait3A_151] : memref<25600x128xi32, #tpu.memory_space<hbm>> -> memref<80x128xi32, #tpu.memory_space<hbm>>
    %dma_wait3A_153 = tpu.memref_slice %arg15[%dma_wait3A_149, %dma_wait3A_150] : memref<2x2x!tpu.dma_semaphore, #tpu.memory_space<semaphore_mem>> -> memref<1x1x!tpu.dma_semaphore, #tpu.memory_space<semaphore_mem>>
    %dma_wait3A_154 = tpu.memref_squeeze %dma_wait3A_153 : memref<1x1x!tpu.dma_semaphore, #tpu.memory_space<semaphore_mem>> -> memref<!tpu.dma_semaphore, #tpu.memory_space<semaphore_mem>>
    %dma_wait3A_155 = arith.constant 0 : i32
    %dma_wait3A_156 = tpu.memref_slice %arg7[%add3A_148, %dma_wait3A_155] : memref<25600x128xi32, #tpu.memory_space<hbm>> -> memref<80x128xi32, #tpu.memory_space<hbm>>
    tpu.wait_dma2 semaphore(%dma_wait3A_154 : memref<!tpu.dma_semaphore, #tpu.memory_space<semaphore_mem>>) src(%arg13 : memref<80x128xi32, #tpu.memory_space<vmem>>) dst(%dma_wait3A_156 : memref<80x128xi32, #tpu.memory_space<hbm>>)
    return
  }
}

#map = affine_map<(d0, d1) -> (0, 0)>
#map1 = affine_map<(d0, d1) -> (0)>
module attributes {stable_mosaic.version = 14 : i64} {
  func.func @_sc_cat_body(%arg0: i32, %arg1: i32, %arg2: memref<100000x768xf32, #tpu.memory_space<hbm>>, %arg3: memref<25600xi32, #tpu.memory_space<hbm>>, %arg4: memref<25600x768xf32, #tpu.memory_space<hbm>>, %arg5: memref<800xi32, #tpu.memory_space<vmem>>, %arg6: memref<80x768xf32, #tpu.memory_space<vmem>>, %arg7: memref<80x768xf32, #tpu.memory_space<vmem>>, %arg8: memref<1x2x!tpu.dma_semaphore, #tpu.memory_space<semaphore_mem>>, %arg9: memref<1x2x!tpu.dma_semaphore, #tpu.memory_space<semaphore_mem>>) attributes {dimension_semantics = [#tpu.dimension_semantics<core_parallel>, #tpu.dimension_semantics<subcore_parallel>], iteration_bounds = array<i64: 2, 16>, scalar_prefetch = 0 : i64, scratch_operands = 5 : i64, tpu.core_type = #tpu.core_type<sc_vector_subcore>, window_params = [{transform_indices = #map}, {transform_indices = #map1}, {transform_indices = #map}]} {
    %mul3A = arith.constant 2 : i32
    %mul3A_0 = arith.muli %arg1, %mul3A : i32
    %add3A = arith.addi %mul3A_0, %arg0 : i32
    %mul3A_1 = arith.constant 800 : i32
    %mul3A_2 = arith.muli %add3A, %mul3A_1 : i32
    "tpu.region"() ({
      %run_scoped3A = tpu.sem_alloc : memref<!tpu.dma_semaphore, #tpu.memory_space<semaphore_mem>>
      %dma_start3A_81 = tpu.memref_slice %arg3[%mul3A_2] : memref<25600xi32, #tpu.memory_space<hbm>> -> memref<800xi32, #tpu.memory_space<hbm>>
      %dma_start3A_82 = tpu.memref_slice %arg3[%mul3A_2] : memref<25600xi32, #tpu.memory_space<hbm>> -> memref<800xi32, #tpu.memory_space<hbm>>
      tpu.enqueue_dma source(%dma_start3A_82 : memref<800xi32, #tpu.memory_space<hbm>>) target(%arg5 : memref<800xi32, #tpu.memory_space<vmem>>) target_semaphore(%run_scoped3A : memref<!tpu.dma_semaphore, #tpu.memory_space<semaphore_mem>>)
      %dma_wait3A_83 = tpu.memref_slice %arg3[%mul3A_2] : memref<25600xi32, #tpu.memory_space<hbm>> -> memref<800xi32, #tpu.memory_space<hbm>>
      %dma_wait3A_84 = tpu.memref_slice %arg3[%mul3A_2] : memref<25600xi32, #tpu.memory_space<hbm>> -> memref<800xi32, #tpu.memory_space<hbm>>
      tpu.wait_dma2 semaphore(%run_scoped3A : memref<!tpu.dma_semaphore, #tpu.memory_space<semaphore_mem>>) src(%dma_wait3A_84 : memref<800xi32, #tpu.memory_space<hbm>>) dst(%arg5 : memref<800xi32, #tpu.memory_space<vmem>>)
      tpu.yield
    }) : () -> ()
    %dma_start3A = arith.constant 0 : i32
    %dma_start3A_3 = arith.constant 0 : i32
    %dma_start3A_4 = arith.constant 0 : i32
    %dma_start3A_5 = tpu.memref_slice %arg5[%dma_start3A_4] : memref<800xi32, #tpu.memory_space<vmem>> -> memref<80xi32, #tpu.memory_space<vmem>>
    %dma_start3A_6 = arith.constant 0 : i32
    %dma_start3A_7 = arith.constant 0 : i32
    %dma_start3A_8 = tpu.memref_slice %arg2[%dma_start3A_6, %dma_start3A_7] : memref<100000x768xf32, #tpu.memory_space<hbm>> -> memref<100000x768xf32, #tpu.memory_space<hbm>>
    %dma_start3A_9 = tpu.memref_slice %arg8[%dma_start3A, %dma_start3A_3] : memref<1x2x!tpu.dma_semaphore, #tpu.memory_space<semaphore_mem>> -> memref<1x1x!tpu.dma_semaphore, #tpu.memory_space<semaphore_mem>>
    %dma_start3A_10 = tpu.memref_squeeze %dma_start3A_9 : memref<1x1x!tpu.dma_semaphore, #tpu.memory_space<semaphore_mem>> -> memref<!tpu.dma_semaphore, #tpu.memory_space<semaphore_mem>>
    tpu.enqueue_indirect_dma source(%dma_start3A_8 : memref<100000x768xf32, #tpu.memory_space<hbm>>) target(%arg6 : memref<80x768xf32, #tpu.memory_space<vmem>>) offsets(%dma_start3A_5 : memref<80xi32, #tpu.memory_space<vmem>>) semaphore(%dma_start3A_10 : memref<!tpu.dma_semaphore, #tpu.memory_space<semaphore_mem>>)
    %dma_wait3A = arith.constant 0 : i32
    %dma_wait3A_11 = arith.constant 0 : i32
    %dma_wait3A_12 = arith.constant 0 : i32
    %dma_wait3A_13 = tpu.memref_slice %arg5[%dma_wait3A_12] : memref<800xi32, #tpu.memory_space<vmem>> -> memref<80xi32, #tpu.memory_space<vmem>>
    %dma_wait3A_14 = arith.constant 0 : i32
    %dma_wait3A_15 = arith.constant 0 : i32
    %dma_wait3A_16 = tpu.memref_slice %arg2[%dma_wait3A_14, %dma_wait3A_15] : memref<100000x768xf32, #tpu.memory_space<hbm>> -> memref<100000x768xf32, #tpu.memory_space<hbm>>
    %dma_wait3A_17 = tpu.memref_slice %arg8[%dma_wait3A, %dma_wait3A_11] : memref<1x2x!tpu.dma_semaphore, #tpu.memory_space<semaphore_mem>> -> memref<1x1x!tpu.dma_semaphore, #tpu.memory_space<semaphore_mem>>
    %dma_wait3A_18 = tpu.memref_squeeze %dma_wait3A_17 : memref<1x1x!tpu.dma_semaphore, #tpu.memory_space<semaphore_mem>> -> memref<!tpu.dma_semaphore, #tpu.memory_space<semaphore_mem>>
    tpu.wait_indirect_dma semaphore(%dma_wait3A_18 : memref<!tpu.dma_semaphore, #tpu.memory_space<semaphore_mem>>) src(%dma_wait3A_16 : memref<100000x768xf32, #tpu.memory_space<hbm>>) dst(%arg6 : memref<80x768xf32, #tpu.memory_space<vmem>>)
    %dma_start3A_19 = arith.constant 0 : i32
    %dma_start3A_20 = arith.constant 1 : i32
    %dma_start3A_21 = arith.constant 80 : i32
    %dma_start3A_22 = tpu.memref_slice %arg5[%dma_start3A_21] : memref<800xi32, #tpu.memory_space<vmem>> -> memref<80xi32, #tpu.memory_space<vmem>>
    %dma_start3A_23 = arith.constant 0 : i32
    %dma_start3A_24 = arith.constant 0 : i32
    %dma_start3A_25 = tpu.memref_slice %arg2[%dma_start3A_23, %dma_start3A_24] : memref<100000x768xf32, #tpu.memory_space<hbm>> -> memref<100000x768xf32, #tpu.memory_space<hbm>>
    %dma_start3A_26 = tpu.memref_slice %arg8[%dma_start3A_19, %dma_start3A_20] : memref<1x2x!tpu.dma_semaphore, #tpu.memory_space<semaphore_mem>> -> memref<1x1x!tpu.dma_semaphore, #tpu.memory_space<semaphore_mem>>
    %dma_start3A_27 = tpu.memref_squeeze %dma_start3A_26 : memref<1x1x!tpu.dma_semaphore, #tpu.memory_space<semaphore_mem>> -> memref<!tpu.dma_semaphore, #tpu.memory_space<semaphore_mem>>
    tpu.enqueue_indirect_dma source(%dma_start3A_25 : memref<100000x768xf32, #tpu.memory_space<hbm>>) target(%arg7 : memref<80x768xf32, #tpu.memory_space<vmem>>) offsets(%dma_start3A_22 : memref<80xi32, #tpu.memory_space<vmem>>) semaphore(%dma_start3A_27 : memref<!tpu.dma_semaphore, #tpu.memory_space<semaphore_mem>>)
    %add3A_28 = arith.constant 0 : i32
    %add3A_29 = arith.addi %mul3A_2, %add3A_28 : i32
    %dma_start3A_30 = arith.constant 0 : i32
    %dma_start3A_31 = arith.constant 0 : i32
    %dma_start3A_32 = arith.constant 0 : i32
    %dma_start3A_33 = tpu.memref_slice %arg4[%add3A_29, %dma_start3A_32] : memref<25600x768xf32, #tpu.memory_space<hbm>> -> memref<80x768xf32, #tpu.memory_space<hbm>>
    %dma_start3A_34 = tpu.memref_slice %arg9[%dma_start3A_30, %dma_start3A_31] : memref<1x2x!tpu.dma_semaphore, #tpu.memory_space<semaphore_mem>> -> memref<1x1x!tpu.dma_semaphore, #tpu.memory_space<semaphore_mem>>
    %dma_start3A_35 = tpu.memref_squeeze %dma_start3A_34 : memref<1x1x!tpu.dma_semaphore, #tpu.memory_space<semaphore_mem>> -> memref<!tpu.dma_semaphore, #tpu.memory_space<semaphore_mem>>
    %dma_start3A_36 = arith.constant 0 : i32
    %dma_start3A_37 = tpu.memref_slice %arg4[%add3A_29, %dma_start3A_36] : memref<25600x768xf32, #tpu.memory_space<hbm>> -> memref<80x768xf32, #tpu.memory_space<hbm>>
    tpu.enqueue_dma source(%arg6 : memref<80x768xf32, #tpu.memory_space<vmem>>) target(%dma_start3A_37 : memref<80x768xf32, #tpu.memory_space<hbm>>) target_semaphore(%dma_start3A_35 : memref<!tpu.dma_semaphore, #tpu.memory_space<semaphore_mem>>)
    %scan3A = arith.constant 0 : i32
    %scan3A_38 = arith.constant 4 : i32
    %scan3A_39 = arith.addi %scan3A, %scan3A_38 : i32
    %scan3A_40 = arith.constant 1 : i32
    scf.for %scan3A_81 = %scan3A to %scan3A_39 step %scan3A_40  : i32 {
      %mul3A_82 = arith.constant 1 : i32
      %mul3A_83 = arith.muli %scan3A_81, %mul3A_82 : i32
      %add3A_84 = arith.constant 0 : i32
      %add3A_85 = arith.addi %add3A_84, %mul3A_83 : i32
      %mul3A_86 = arith.constant 2 : i32
      %mul3A_87 = arith.muli %mul3A_86, %add3A_85 : i32
      %add3A_88 = arith.constant 1 : i32
      %add3A_89 = arith.addi %mul3A_87, %add3A_88 : i32
      %mul3A_90 = arith.constant 80 : i32
      %mul3A_91 = arith.muli %add3A_89, %mul3A_90 : i32
      %dma_wait3A_92 = arith.constant 0 : i32
      %dma_wait3A_93 = arith.constant 1 : i32
      %dma_wait3A_94 = tpu.memref_slice %arg5[%mul3A_91] : memref<800xi32, #tpu.memory_space<vmem>> -> memref<80xi32, #tpu.memory_space<vmem>>
      %dma_wait3A_95 = arith.constant 0 : i32
      %dma_wait3A_96 = arith.constant 0 : i32
      %dma_wait3A_97 = tpu.memref_slice %arg2[%dma_wait3A_95, %dma_wait3A_96] : memref<100000x768xf32, #tpu.memory_space<hbm>> -> memref<100000x768xf32, #tpu.memory_space<hbm>>
      %dma_wait3A_98 = tpu.memref_slice %arg8[%dma_wait3A_92, %dma_wait3A_93] : memref<1x2x!tpu.dma_semaphore, #tpu.memory_space<semaphore_mem>> -> memref<1x1x!tpu.dma_semaphore, #tpu.memory_space<semaphore_mem>>
      %dma_wait3A_99 = tpu.memref_squeeze %dma_wait3A_98 : memref<1x1x!tpu.dma_semaphore, #tpu.memory_space<semaphore_mem>> -> memref<!tpu.dma_semaphore, #tpu.memory_space<semaphore_mem>>
      tpu.wait_indirect_dma semaphore(%dma_wait3A_99 : memref<!tpu.dma_semaphore, #tpu.memory_space<semaphore_mem>>) src(%dma_wait3A_97 : memref<100000x768xf32, #tpu.memory_space<hbm>>) dst(%arg7 : memref<80x768xf32, #tpu.memory_space<vmem>>)
      %sub3A = arith.constant 1 : i32
      %sub3A_100 = arith.subi %add3A_89, %sub3A : i32
      %mul3A_101 = arith.constant 80 : i32
      %mul3A_102 = arith.muli %sub3A_100, %mul3A_101 : i32
      %add3A_103 = arith.addi %mul3A_2, %mul3A_102 : i32
      %dma_wait3A_104 = arith.constant 0 : i32
      %dma_wait3A_105 = arith.constant 0 : i32
      %dma_wait3A_106 = arith.constant 0 : i32
      %dma_wait3A_107 = tpu.memref_slice %arg4[%add3A_103, %dma_wait3A_106] : memref<25600x768xf32, #tpu.memory_space<hbm>> -> memref<80x768xf32, #tpu.memory_space<hbm>>
      %dma_wait3A_108 = tpu.memref_slice %arg9[%dma_wait3A_104, %dma_wait3A_105] : memref<1x2x!tpu.dma_semaphore, #tpu.memory_space<semaphore_mem>> -> memref<1x1x!tpu.dma_semaphore, #tpu.memory_space<semaphore_mem>>
      %dma_wait3A_109 = tpu.memref_squeeze %dma_wait3A_108 : memref<1x1x!tpu.dma_semaphore, #tpu.memory_space<semaphore_mem>> -> memref<!tpu.dma_semaphore, #tpu.memory_space<semaphore_mem>>
      %dma_wait3A_110 = arith.constant 0 : i32
      %dma_wait3A_111 = tpu.memref_slice %arg4[%add3A_103, %dma_wait3A_110] : memref<25600x768xf32, #tpu.memory_space<hbm>> -> memref<80x768xf32, #tpu.memory_space<hbm>>
      tpu.wait_dma2 semaphore(%dma_wait3A_109 : memref<!tpu.dma_semaphore, #tpu.memory_space<semaphore_mem>>) src(%arg6 : memref<80x768xf32, #tpu.memory_space<vmem>>) dst(%dma_wait3A_111 : memref<80x768xf32, #tpu.memory_space<hbm>>)
      %add3A_112 = arith.constant 1 : i32
      %add3A_113 = arith.addi %add3A_89, %add3A_112 : i32
      %mul3A_114 = arith.constant 80 : i32
      %mul3A_115 = arith.muli %add3A_113, %mul3A_114 : i32
      %dma_start3A_116 = arith.constant 0 : i32
      %dma_start3A_117 = arith.constant 0 : i32
      %dma_start3A_118 = tpu.memref_slice %arg5[%mul3A_115] : memref<800xi32, #tpu.memory_space<vmem>> -> memref<80xi32, #tpu.memory_space<vmem>>
      %dma_start3A_119 = arith.constant 0 : i32
      %dma_start3A_120 = arith.constant 0 : i32
      %dma_start3A_121 = tpu.memref_slice %arg2[%dma_start3A_119, %dma_start3A_120] : memref<100000x768xf32, #tpu.memory_space<hbm>> -> memref<100000x768xf32, #tpu.memory_space<hbm>>
      %dma_start3A_122 = tpu.memref_slice %arg8[%dma_start3A_116, %dma_start3A_117] : memref<1x2x!tpu.dma_semaphore, #tpu.memory_space<semaphore_mem>> -> memref<1x1x!tpu.dma_semaphore, #tpu.memory_space<semaphore_mem>>
      %dma_start3A_123 = tpu.memref_squeeze %dma_start3A_122 : memref<1x1x!tpu.dma_semaphore, #tpu.memory_space<semaphore_mem>> -> memref<!tpu.dma_semaphore, #tpu.memory_space<semaphore_mem>>
      tpu.enqueue_indirect_dma source(%dma_start3A_121 : memref<100000x768xf32, #tpu.memory_space<hbm>>) target(%arg6 : memref<80x768xf32, #tpu.memory_space<vmem>>) offsets(%dma_start3A_118 : memref<80xi32, #tpu.memory_space<vmem>>) semaphore(%dma_start3A_123 : memref<!tpu.dma_semaphore, #tpu.memory_space<semaphore_mem>>)
      %mul3A_124 = arith.constant 80 : i32
      %mul3A_125 = arith.muli %add3A_89, %mul3A_124 : i32
      %add3A_126 = arith.addi %mul3A_2, %mul3A_125 : i32
      %dma_start3A_127 = arith.constant 0 : i32
      %dma_start3A_128 = arith.constant 1 : i32
      %dma_start3A_129 = arith.constant 0 : i32
      %dma_start3A_130 = tpu.memref_slice %arg4[%add3A_126, %dma_start3A_129] : memref<25600x768xf32, #tpu.memory_space<hbm>> -> memref<80x768xf32, #tpu.memory_space<hbm>>
      %dma_start3A_131 = tpu.memref_slice %arg9[%dma_start3A_127, %dma_start3A_128] : memref<1x2x!tpu.dma_semaphore, #tpu.memory_space<semaphore_mem>> -> memref<1x1x!tpu.dma_semaphore, #tpu.memory_space<semaphore_mem>>
      %dma_start3A_132 = tpu.memref_squeeze %dma_start3A_131 : memref<1x1x!tpu.dma_semaphore, #tpu.memory_space<semaphore_mem>> -> memref<!tpu.dma_semaphore, #tpu.memory_space<semaphore_mem>>
      %dma_start3A_133 = arith.constant 0 : i32
      %dma_start3A_134 = tpu.memref_slice %arg4[%add3A_126, %dma_start3A_133] : memref<25600x768xf32, #tpu.memory_space<hbm>> -> memref<80x768xf32, #tpu.memory_space<hbm>>
      tpu.enqueue_dma source(%arg7 : memref<80x768xf32, #tpu.memory_space<vmem>>) target(%dma_start3A_134 : memref<80x768xf32, #tpu.memory_space<hbm>>) target_semaphore(%dma_start3A_132 : memref<!tpu.dma_semaphore, #tpu.memory_space<semaphore_mem>>)
      %mul3A_135 = arith.constant 2 : i32
      %mul3A_136 = arith.muli %mul3A_135, %add3A_85 : i32
      %add3A_137 = arith.constant 2 : i32
      %add3A_138 = arith.addi %mul3A_136, %add3A_137 : i32
      %mul3A_139 = arith.constant 80 : i32
      %mul3A_140 = arith.muli %add3A_138, %mul3A_139 : i32
      %dma_wait3A_141 = arith.constant 0 : i32
      %dma_wait3A_142 = arith.constant 0 : i32
      %dma_wait3A_143 = tpu.memref_slice %arg5[%mul3A_140] : memref<800xi32, #tpu.memory_space<vmem>> -> memref<80xi32, #tpu.memory_space<vmem>>
      %dma_wait3A_144 = arith.constant 0 : i32
      %dma_wait3A_145 = arith.constant 0 : i32
      %dma_wait3A_146 = tpu.memref_slice %arg2[%dma_wait3A_144, %dma_wait3A_145] : memref<100000x768xf32, #tpu.memory_space<hbm>> -> memref<100000x768xf32, #tpu.memory_space<hbm>>
      %dma_wait3A_147 = tpu.memref_slice %arg8[%dma_wait3A_141, %dma_wait3A_142] : memref<1x2x!tpu.dma_semaphore, #tpu.memory_space<semaphore_mem>> -> memref<1x1x!tpu.dma_semaphore, #tpu.memory_space<semaphore_mem>>
      %dma_wait3A_148 = tpu.memref_squeeze %dma_wait3A_147 : memref<1x1x!tpu.dma_semaphore, #tpu.memory_space<semaphore_mem>> -> memref<!tpu.dma_semaphore, #tpu.memory_space<semaphore_mem>>
      tpu.wait_indirect_dma semaphore(%dma_wait3A_148 : memref<!tpu.dma_semaphore, #tpu.memory_space<semaphore_mem>>) src(%dma_wait3A_146 : memref<100000x768xf32, #tpu.memory_space<hbm>>) dst(%arg6 : memref<80x768xf32, #tpu.memory_space<vmem>>)
      %sub3A_149 = arith.constant 1 : i32
      %sub3A_150 = arith.subi %add3A_138, %sub3A_149 : i32
      %mul3A_151 = arith.constant 80 : i32
      %mul3A_152 = arith.muli %sub3A_150, %mul3A_151 : i32
      %add3A_153 = arith.addi %mul3A_2, %mul3A_152 : i32
      %dma_wait3A_154 = arith.constant 0 : i32
      %dma_wait3A_155 = arith.constant 1 : i32
      %dma_wait3A_156 = arith.constant 0 : i32
      %dma_wait3A_157 = tpu.memref_slice %arg4[%add3A_153, %dma_wait3A_156] : memref<25600x768xf32, #tpu.memory_space<hbm>> -> memref<80x768xf32, #tpu.memory_space<hbm>>
      %dma_wait3A_158 = tpu.memref_slice %arg9[%dma_wait3A_154, %dma_wait3A_155] : memref<1x2x!tpu.dma_semaphore, #tpu.memory_space<semaphore_mem>> -> memref<1x1x!tpu.dma_semaphore, #tpu.memory_space<semaphore_mem>>
      %dma_wait3A_159 = tpu.memref_squeeze %dma_wait3A_158 : memref<1x1x!tpu.dma_semaphore, #tpu.memory_space<semaphore_mem>> -> memref<!tpu.dma_semaphore, #tpu.memory_space<semaphore_mem>>
      %dma_wait3A_160 = arith.constant 0 : i32
      %dma_wait3A_161 = tpu.memref_slice %arg4[%add3A_153, %dma_wait3A_160] : memref<25600x768xf32, #tpu.memory_space<hbm>> -> memref<80x768xf32, #tpu.memory_space<hbm>>
      tpu.wait_dma2 semaphore(%dma_wait3A_159 : memref<!tpu.dma_semaphore, #tpu.memory_space<semaphore_mem>>) src(%arg7 : memref<80x768xf32, #tpu.memory_space<vmem>>) dst(%dma_wait3A_161 : memref<80x768xf32, #tpu.memory_space<hbm>>)
      %add3A_162 = arith.constant 1 : i32
      %add3A_163 = arith.addi %add3A_138, %add3A_162 : i32
      %mul3A_164 = arith.constant 80 : i32
      %mul3A_165 = arith.muli %add3A_163, %mul3A_164 : i32
      %dma_start3A_166 = arith.constant 0 : i32
      %dma_start3A_167 = arith.constant 1 : i32
      %dma_start3A_168 = tpu.memref_slice %arg5[%mul3A_165] : memref<800xi32, #tpu.memory_space<vmem>> -> memref<80xi32, #tpu.memory_space<vmem>>
      %dma_start3A_169 = arith.constant 0 : i32
      %dma_start3A_170 = arith.constant 0 : i32
      %dma_start3A_171 = tpu.memref_slice %arg2[%dma_start3A_169, %dma_start3A_170] : memref<100000x768xf32, #tpu.memory_space<hbm>> -> memref<100000x768xf32, #tpu.memory_space<hbm>>
      %dma_start3A_172 = tpu.memref_slice %arg8[%dma_start3A_166, %dma_start3A_167] : memref<1x2x!tpu.dma_semaphore, #tpu.memory_space<semaphore_mem>> -> memref<1x1x!tpu.dma_semaphore, #tpu.memory_space<semaphore_mem>>
      %dma_start3A_173 = tpu.memref_squeeze %dma_start3A_172 : memref<1x1x!tpu.dma_semaphore, #tpu.memory_space<semaphore_mem>> -> memref<!tpu.dma_semaphore, #tpu.memory_space<semaphore_mem>>
      tpu.enqueue_indirect_dma source(%dma_start3A_171 : memref<100000x768xf32, #tpu.memory_space<hbm>>) target(%arg7 : memref<80x768xf32, #tpu.memory_space<vmem>>) offsets(%dma_start3A_168 : memref<80xi32, #tpu.memory_space<vmem>>) semaphore(%dma_start3A_173 : memref<!tpu.dma_semaphore, #tpu.memory_space<semaphore_mem>>)
      %mul3A_174 = arith.constant 80 : i32
      %mul3A_175 = arith.muli %add3A_138, %mul3A_174 : i32
      %add3A_176 = arith.addi %mul3A_2, %mul3A_175 : i32
      %dma_start3A_177 = arith.constant 0 : i32
      %dma_start3A_178 = arith.constant 0 : i32
      %dma_start3A_179 = arith.constant 0 : i32
      %dma_start3A_180 = tpu.memref_slice %arg4[%add3A_176, %dma_start3A_179] : memref<25600x768xf32, #tpu.memory_space<hbm>> -> memref<80x768xf32, #tpu.memory_space<hbm>>
      %dma_start3A_181 = tpu.memref_slice %arg9[%dma_start3A_177, %dma_start3A_178] : memref<1x2x!tpu.dma_semaphore, #tpu.memory_space<semaphore_mem>> -> memref<1x1x!tpu.dma_semaphore, #tpu.memory_space<semaphore_mem>>
      %dma_start3A_182 = tpu.memref_squeeze %dma_start3A_181 : memref<1x1x!tpu.dma_semaphore, #tpu.memory_space<semaphore_mem>> -> memref<!tpu.dma_semaphore, #tpu.memory_space<semaphore_mem>>
      %dma_start3A_183 = arith.constant 0 : i32
      %dma_start3A_184 = tpu.memref_slice %arg4[%add3A_176, %dma_start3A_183] : memref<25600x768xf32, #tpu.memory_space<hbm>> -> memref<80x768xf32, #tpu.memory_space<hbm>>
      tpu.enqueue_dma source(%arg6 : memref<80x768xf32, #tpu.memory_space<vmem>>) target(%dma_start3A_184 : memref<80x768xf32, #tpu.memory_space<hbm>>) target_semaphore(%dma_start3A_182 : memref<!tpu.dma_semaphore, #tpu.memory_space<semaphore_mem>>)
    }
    %scan3A_41 = arith.constant 4 : i32
    %dma_wait3A_42 = arith.constant 0 : i32
    %dma_wait3A_43 = arith.constant 1 : i32
    %dma_wait3A_44 = arith.constant 720 : i32
    %dma_wait3A_45 = tpu.memref_slice %arg5[%dma_wait3A_44] : memref<800xi32, #tpu.memory_space<vmem>> -> memref<80xi32, #tpu.memory_space<vmem>>
    %dma_wait3A_46 = arith.constant 0 : i32
    %dma_wait3A_47 = arith.constant 0 : i32
    %dma_wait3A_48 = tpu.memref_slice %arg2[%dma_wait3A_46, %dma_wait3A_47] : memref<100000x768xf32, #tpu.memory_space<hbm>> -> memref<100000x768xf32, #tpu.memory_space<hbm>>
    %dma_wait3A_49 = tpu.memref_slice %arg8[%dma_wait3A_42, %dma_wait3A_43] : memref<1x2x!tpu.dma_semaphore, #tpu.memory_space<semaphore_mem>> -> memref<1x1x!tpu.dma_semaphore, #tpu.memory_space<semaphore_mem>>
    %dma_wait3A_50 = tpu.memref_squeeze %dma_wait3A_49 : memref<1x1x!tpu.dma_semaphore, #tpu.memory_space<semaphore_mem>> -> memref<!tpu.dma_semaphore, #tpu.memory_space<semaphore_mem>>
    tpu.wait_indirect_dma semaphore(%dma_wait3A_50 : memref<!tpu.dma_semaphore, #tpu.memory_space<semaphore_mem>>) src(%dma_wait3A_48 : memref<100000x768xf32, #tpu.memory_space<hbm>>) dst(%arg7 : memref<80x768xf32, #tpu.memory_space<vmem>>)
    %add3A_51 = arith.constant 640 : i32
    %add3A_52 = arith.addi %mul3A_2, %add3A_51 : i32
    %dma_wait3A_53 = arith.constant 0 : i32
    %dma_wait3A_54 = arith.constant 0 : i32
    %dma_wait3A_55 = arith.constant 0 : i32
    %dma_wait3A_56 = tpu.memref_slice %arg4[%add3A_52, %dma_wait3A_55] : memref<25600x768xf32, #tpu.memory_space<hbm>> -> memref<80x768xf32, #tpu.memory_space<hbm>>
    %dma_wait3A_57 = tpu.memref_slice %arg9[%dma_wait3A_53, %dma_wait3A_54] : memref<1x2x!tpu.dma_semaphore, #tpu.memory_space<semaphore_mem>> -> memref<1x1x!tpu.dma_semaphore, #tpu.memory_space<semaphore_mem>>
    %dma_wait3A_58 = tpu.memref_squeeze %dma_wait3A_57 : memref<1x1x!tpu.dma_semaphore, #tpu.memory_space<semaphore_mem>> -> memref<!tpu.dma_semaphore, #tpu.memory_space<semaphore_mem>>
    %dma_wait3A_59 = arith.constant 0 : i32
    %dma_wait3A_60 = tpu.memref_slice %arg4[%add3A_52, %dma_wait3A_59] : memref<25600x768xf32, #tpu.memory_space<hbm>> -> memref<80x768xf32, #tpu.memory_space<hbm>>
    tpu.wait_dma2 semaphore(%dma_wait3A_58 : memref<!tpu.dma_semaphore, #tpu.memory_space<semaphore_mem>>) src(%arg6 : memref<80x768xf32, #tpu.memory_space<vmem>>) dst(%dma_wait3A_60 : memref<80x768xf32, #tpu.memory_space<hbm>>)
    %add3A_61 = arith.constant 720 : i32
    %add3A_62 = arith.addi %mul3A_2, %add3A_61 : i32
    %dma_start3A_63 = arith.constant 0 : i32
    %dma_start3A_64 = arith.constant 1 : i32
    %dma_start3A_65 = arith.constant 0 : i32
    %dma_start3A_66 = tpu.memref_slice %arg4[%add3A_62, %dma_start3A_65] : memref<25600x768xf32, #tpu.memory_space<hbm>> -> memref<80x768xf32, #tpu.memory_space<hbm>>
    %dma_start3A_67 = tpu.memref_slice %arg9[%dma_start3A_63, %dma_start3A_64] : memref<1x2x!tpu.dma_semaphore, #tpu.memory_space<semaphore_mem>> -> memref<1x1x!tpu.dma_semaphore, #tpu.memory_space<semaphore_mem>>
    %dma_start3A_68 = tpu.memref_squeeze %dma_start3A_67 : memref<1x1x!tpu.dma_semaphore, #tpu.memory_space<semaphore_mem>> -> memref<!tpu.dma_semaphore, #tpu.memory_space<semaphore_mem>>
    %dma_start3A_69 = arith.constant 0 : i32
    %dma_start3A_70 = tpu.memref_slice %arg4[%add3A_62, %dma_start3A_69] : memref<25600x768xf32, #tpu.memory_space<hbm>> -> memref<80x768xf32, #tpu.memory_space<hbm>>
    tpu.enqueue_dma source(%arg7 : memref<80x768xf32, #tpu.memory_space<vmem>>) target(%dma_start3A_70 : memref<80x768xf32, #tpu.memory_space<hbm>>) target_semaphore(%dma_start3A_68 : memref<!tpu.dma_semaphore, #tpu.memory_space<semaphore_mem>>)
    %add3A_71 = arith.constant 720 : i32
    %add3A_72 = arith.addi %mul3A_2, %add3A_71 : i32
    %dma_wait3A_73 = arith.constant 0 : i32
    %dma_wait3A_74 = arith.constant 1 : i32
    %dma_wait3A_75 = arith.constant 0 : i32
    %dma_wait3A_76 = tpu.memref_slice %arg4[%add3A_72, %dma_wait3A_75] : memref<25600x768xf32, #tpu.memory_space<hbm>> -> memref<80x768xf32, #tpu.memory_space<hbm>>
    %dma_wait3A_77 = tpu.memref_slice %arg9[%dma_wait3A_73, %dma_wait3A_74] : memref<1x2x!tpu.dma_semaphore, #tpu.memory_space<semaphore_mem>> -> memref<1x1x!tpu.dma_semaphore, #tpu.memory_space<semaphore_mem>>
    %dma_wait3A_78 = tpu.memref_squeeze %dma_wait3A_77 : memref<1x1x!tpu.dma_semaphore, #tpu.memory_space<semaphore_mem>> -> memref<!tpu.dma_semaphore, #tpu.memory_space<semaphore_mem>>
    %dma_wait3A_79 = arith.constant 0 : i32
    %dma_wait3A_80 = tpu.memref_slice %arg4[%add3A_72, %dma_wait3A_79] : memref<25600x768xf32, #tpu.memory_space<hbm>> -> memref<80x768xf32, #tpu.memory_space<hbm>>
    tpu.wait_dma2 semaphore(%dma_wait3A_78 : memref<!tpu.dma_semaphore, #tpu.memory_space<semaphore_mem>>) src(%arg7 : memref<80x768xf32, #tpu.memory_space<vmem>>) dst(%dma_wait3A_80 : memref<80x768xf32, #tpu.memory_space<hbm>>)
    return
  }
}

module attributes {stable_mosaic.version = 14 : i64} {
  func.func @_proj_body(%arg0: i32, %arg1: memref<1000x768xf32, #tpu.memory_space<vmem>>, %arg2: memref<1024x768xf32, #tpu.memory_space<vmem>>, %arg3: memref<768x256xf32, #tpu.memory_space<vmem>>, %arg4: memref<768x256xf32, #tpu.memory_space<vmem>>, %arg5: memref<1x256xf32, #tpu.memory_space<vmem>>, %arg6: memref<1x256xf32, #tpu.memory_space<vmem>>, %arg7: memref<1000x128xi32, #tpu.memory_space<vmem>>, %arg8: memref<1024x128xi32, #tpu.memory_space<vmem>>) attributes {dimension_semantics = [#tpu.dimension_semantics<arbitrary>], iteration_bounds = array<i64: 4>, scalar_prefetch = 0 : i64, scratch_operands = 0 : i64, tpu.core_type = #tpu.core_type<tc>, window_params = [{pipeline_mode = #tpu.pipeline_mode<synchronous>, transform_indices = @transform_0, window_bounds = array<i64: 1000, 768>}, {transform_indices = @transform_1, window_bounds = array<i64: 1024, 768>}, {pipeline_mode = #tpu.pipeline_mode<synchronous>, transform_indices = @transform_2, window_bounds = array<i64: 768, 256>}, {pipeline_mode = #tpu.pipeline_mode<synchronous>, transform_indices = @transform_3, window_bounds = array<i64: 768, 256>}, {pipeline_mode = #tpu.pipeline_mode<synchronous>, transform_indices = @transform_4, window_bounds = array<i64: 1, 256>}, {pipeline_mode = #tpu.pipeline_mode<synchronous>, transform_indices = @transform_5, window_bounds = array<i64: 1, 256>}, {pipeline_mode = #tpu.pipeline_mode<synchronous>, transform_indices = @transform_6, window_bounds = array<i64: 1000, 128>}, {transform_indices = @transform_7, window_bounds = array<i64: 1024, 128>}]} {
    %eq3A = arith.constant 0 : i32
    %eq3A_0 = arith.cmpi eq, %arg0, %eq3A : i32
    %convert_element_type3A = arith.extui %eq3A_0 : i1 to i32
    %cond3A = arith.constant 0 : i32
    %cond3A_1 = arith.cmpi ne, %convert_element_type3A, %cond3A : i32
    scf.if %cond3A_1 {
      %get3A_24 = arith.constant 0 : index
      %get3A_25 = arith.constant 0 : index
      %get3A_26 = vector.load %arg1[%get3A_24, %get3A_25] : memref<1000x768xf32, #tpu.memory_space<vmem>>, vector<1000x768xf32>
      %convert_element_type3A_27 = arith.truncf %get3A_26 : vector<1000x768xf32> to vector<1000x768xbf16>
      %get3A_28 = arith.constant 0 : index
      %get3A_29 = arith.constant 0 : index
      %get3A_30 = vector.load %arg3[%get3A_28, %get3A_29] : memref<768x256xf32, #tpu.memory_space<vmem>>, vector<768x256xf32>
      %convert_element_type3A_31 = arith.truncf %get3A_30 : vector<768x256xf32> to vector<768x256xbf16>
      %dot_general3A_32 = arith.constant dense<0.000000e+00> : vector<1000x256xf32>
      %dot_general3A_33 = tpu.matmul %convert_element_type3A_27, %convert_element_type3A_31, %dot_general3A_32 {dimension_numbers = #tpu.dot_dimension_numbers<[1], [0], [0], [1], [0, 0, 1, 1], [], []>, transpose_lhs_hint = false} : vector<1000x768xbf16>, vector<768x256xbf16>, vector<1000x256xf32> -> vector<1000x256xf32>
      %get3A_34 = arith.constant 0 : index
      %get3A_35 = arith.constant 0 : index
      %get3A_36 = vector.load %arg5[%get3A_34, %get3A_35] : memref<1x256xf32, #tpu.memory_space<vmem>>, vector<1x256xf32>
      %add3A_37 = vector.broadcast %get3A_36 : vector<1x256xf32> to vector<1000x256xf32>
      %add3A_38 = arith.addf %dot_general3A_33, %add3A_37 : vector<1000x256xf32>
      %convert_element_type3A_39 = arith.truncf %add3A_38 : vector<1000x256xf32> to vector<1000x256xbf16>
      %convert_element_type3A_40 = arith.extf %convert_element_type3A_39 : vector<1000x256xbf16> to vector<1000x256xf32>
      %bitcast_convert_type3A_41 = tpu.bitcast %convert_element_type3A_40 : vector<1000x256xf32> -> vector<1000x256xi32>
      %slice3A_42 = vector.extract_strided_slice %bitcast_convert_type3A_41 {offsets = [0, 0], sizes = [1000, 128], strides = [1, 1]} : vector<1000x256xi32> to vector<1000x128xi32>
      %shift_right_logical3A_43 = arith.constant 16 : i32
      %shift_right_logical3A_44 = vector.broadcast %shift_right_logical3A_43 : i32 to vector<1000x128xi32>
      %shift_right_logical3A_45 = arith.shrui %slice3A_42, %shift_right_logical3A_44 : vector<1000x128xi32>
      %slice3A_46 = vector.extract_strided_slice %bitcast_convert_type3A_41 {offsets = [0, 128], sizes = [1000, 128], strides = [1, 1]} : vector<1000x256xi32> to vector<1000x128xi32>
      %and3A_47 = arith.constant -65536 : i32
      %and3A_48 = vector.broadcast %and3A_47 : i32 to vector<1000x128xi32>
      %and3A_49 = arith.andi %slice3A_46, %and3A_48 : vector<1000x128xi32>
      %or3A_50 = arith.ori %shift_right_logical3A_45, %and3A_49 : vector<1000x128xi32>
      %bitcast_convert_type3A_51 = tpu.bitcast %or3A_50 : vector<1000x128xi32> -> vector<1000x128xi32>
      %swap3A_52 = arith.constant 0 : index
      %swap3A_53 = arith.constant 0 : index
      %swap3A_54 = vector.load %arg7[%swap3A_52, %swap3A_53] : memref<1000x128xi32, #tpu.memory_space<vmem>>, vector<1000x128xi32>
      tpu.vector_store %arg7[%swap3A_52, %swap3A_53], %bitcast_convert_type3A_51 {strides = array<i32>} : memref<1000x128xi32, #tpu.memory_space<vmem>>, vector<1000x128xi32>,
    } else {
    }
    %get3A = arith.constant 0 : index
    %get3A_2 = arith.constant 0 : index
    %get3A_3 = vector.load %arg2[%get3A, %get3A_2] : memref<1024x768xf32, #tpu.memory_space<vmem>>, vector<1024x768xf32>
    %convert_element_type3A_4 = arith.truncf %get3A_3 : vector<1024x768xf32> to vector<1024x768xbf16>
    %get3A_5 = arith.constant 0 : index
    %get3A_6 = arith.constant 0 : index
    %get3A_7 = vector.load %arg4[%get3A_5, %get3A_6] : memref<768x256xf32, #tpu.memory_space<vmem>>, vector<768x256xf32>
    %convert_element_type3A_8 = arith.truncf %get3A_7 : vector<768x256xf32> to vector<768x256xbf16>
    %dot_general3A = arith.constant dense<0.000000e+00> : vector<1024x256xf32>
    %dot_general3A_9 = tpu.matmul %convert_element_type3A_4, %convert_element_type3A_8, %dot_general3A {dimension_numbers = #tpu.dot_dimension_numbers<[1], [0], [0], [1], [0, 0, 1, 1], [], []>, transpose_lhs_hint = false} : vector<1024x768xbf16>, vector<768x256xbf16>, vector<1024x256xf32> -> vector<1024x256xf32>
    %get3A_10 = arith.constant 0 : index
    %get3A_11 = arith.constant 0 : index
    %get3A_12 = vector.load %arg6[%get3A_10, %get3A_11] : memref<1x256xf32, #tpu.memory_space<vmem>>, vector<1x256xf32>
    %add3A = vector.broadcast %get3A_12 : vector<1x256xf32> to vector<1024x256xf32>
    %add3A_13 = arith.addf %dot_general3A_9, %add3A : vector<1024x256xf32>
    %convert_element_type3A_14 = arith.truncf %add3A_13 : vector<1024x256xf32> to vector<1024x256xbf16>
    %convert_element_type3A_15 = arith.extf %convert_element_type3A_14 : vector<1024x256xbf16> to vector<1024x256xf32>
    %bitcast_convert_type3A = tpu.bitcast %convert_element_type3A_15 : vector<1024x256xf32> -> vector<1024x256xi32>
    %slice3A = vector.extract_strided_slice %bitcast_convert_type3A {offsets = [0, 0], sizes = [1024, 128], strides = [1, 1]} : vector<1024x256xi32> to vector<1024x128xi32>
    %shift_right_logical3A = arith.constant 16 : i32
    %shift_right_logical3A_16 = vector.broadcast %shift_right_logical3A : i32 to vector<1024x128xi32>
    %shift_right_logical3A_17 = arith.shrui %slice3A, %shift_right_logical3A_16 : vector<1024x128xi32>
    %slice3A_18 = vector.extract_strided_slice %bitcast_convert_type3A {offsets = [0, 128], sizes = [1024, 128], strides = [1, 1]} : vector<1024x256xi32> to vector<1024x128xi32>
    %and3A = arith.constant -65536 : i32
    %and3A_19 = vector.broadcast %and3A : i32 to vector<1024x128xi32>
    %and3A_20 = arith.andi %slice3A_18, %and3A_19 : vector<1024x128xi32>
    %or3A = arith.ori %shift_right_logical3A_17, %and3A_20 : vector<1024x128xi32>
    %bitcast_convert_type3A_21 = tpu.bitcast %or3A : vector<1024x128xi32> -> vector<1024x128xi32>
    %swap3A = arith.constant 0 : index
    %swap3A_22 = arith.constant 0 : index
    %swap3A_23 = vector.load %arg8[%swap3A, %swap3A_22] : memref<1024x128xi32, #tpu.memory_space<vmem>>, vector<1024x128xi32>
    tpu.vector_store %arg8[%swap3A, %swap3A_22], %bitcast_convert_type3A_21 {strides = array<i32>} : memref<1024x128xi32, #tpu.memory_space<vmem>>, vector<1024x128xi32>,
    return
  }
  func.func @transform_0(%arg0: i32) -> (i32, i32) {
    %c0_i32 = arith.constant 0 : i32
    %c0_i32_0 = arith.constant 0 : i32
    %c0_i32_1 = arith.constant 0 : i32
    return %c0_i32, %c0_i32_0 : i32, i32
  }
  func.func @transform_1(%arg0: i32) -> (i32, i32) {
    %c0_i32 = arith.constant 0 : i32
    %c0_i32_0 = arith.constant 0 : i32
    return %arg0, %c0_i32 : i32, i32
  }
  func.func @transform_2(%arg0: i32) -> (i32, i32) {
    %c0_i32 = arith.constant 0 : i32
    %c0_i32_0 = arith.constant 0 : i32
    %c0_i32_1 = arith.constant 0 : i32
    return %c0_i32, %c0_i32_0 : i32, i32
  }
  func.func @transform_3(%arg0: i32) -> (i32, i32) {
    %c0_i32 = arith.constant 0 : i32
    %c0_i32_0 = arith.constant 0 : i32
    %c0_i32_1 = arith.constant 0 : i32
    return %c0_i32, %c0_i32_0 : i32, i32
  }
  func.func @transform_4(%arg0: i32) -> (i32, i32) {
    %c0_i32 = arith.constant 0 : i32
    %c0_i32_0 = arith.constant 0 : i32
    %c0_i32_1 = arith.constant 0 : i32
    return %c0_i32, %c0_i32_0 : i32, i32
  }
  func.func @transform_5(%arg0: i32) -> (i32, i32) {
    %c0_i32 = arith.constant 0 : i32
    %c0_i32_0 = arith.constant 0 : i32
    %c0_i32_1 = arith.constant 0 : i32
    return %c0_i32, %c0_i32_0 : i32, i32
  }
  func.func @transform_6(%arg0: i32) -> (i32, i32) {
    %c0_i32 = arith.constant 0 : i32
    %c0_i32_0 = arith.constant 0 : i32
    %c0_i32_1 = arith.constant 0 : i32
    return %c0_i32, %c0_i32_0 : i32, i32
  }
  func.func @transform_7(%arg0: i32) -> (i32, i32) {
    %c0_i32 = arith.constant 0 : i32
    %c0_i32_0 = arith.constant 0 : i32
    return %arg0, %c0_i32 : i32, i32
  }
}

module attributes {stable_mosaic.version = 14 : i64} {
  func.func @_final_body(%arg0: i32, %arg1: memref<2560x768xf32, #tpu.memory_space<vmem>>, %arg2: memref<2560x128xi32, #tpu.memory_space<vmem>>, %arg3: memref<2560x128xi32, #tpu.memory_space<vmem>>, %arg4: memref<2560x32xbf16, #tpu.memory_space<vmem>>, %arg5: memref<768x256xbf16, #tpu.memory_space<vmem>>, %arg6: memref<32x256xbf16, #tpu.memory_space<vmem>>, %arg7: memref<1x256xf32, #tpu.memory_space<vmem>>, %arg8: memref<2560x256xf32, #tpu.memory_space<vmem>>) attributes {dimension_semantics = [#tpu.dimension_semantics<arbitrary>], iteration_bounds = array<i64: 10>, scalar_prefetch = 0 : i64, scratch_operands = 0 : i64, tpu.core_type = #tpu.core_type<tc>, window_params = [{transform_indices = @transform_0, window_bounds = array<i64: 2560, 768>}, {transform_indices = @transform_1, window_bounds = array<i64: 2560, 128>}, {transform_indices = @transform_2, window_bounds = array<i64: 2560, 128>}, {transform_indices = @transform_3, window_bounds = array<i64: 2560, 32>}, {pipeline_mode = #tpu.pipeline_mode<synchronous>, transform_indices = @transform_4, window_bounds = array<i64: 768, 256>}, {pipeline_mode = #tpu.pipeline_mode<synchronous>, transform_indices = @transform_5, window_bounds = array<i64: 32, 256>}, {pipeline_mode = #tpu.pipeline_mode<synchronous>, transform_indices = @transform_6, window_bounds = array<i64: 1, 256>}, {transform_indices = @transform_7, window_bounds = array<i64: 2560, 256>}]} {
    %get3A = arith.constant 0 : index
    %get3A_0 = arith.constant 0 : index
    %get3A_1 = vector.load %arg1[%get3A, %get3A_0] : memref<2560x768xf32, #tpu.memory_space<vmem>>, vector<2560x768xf32>
    %convert_element_type3A = arith.truncf %get3A_1 : vector<2560x768xf32> to vector<2560x768xbf16>
    %get3A_2 = arith.constant 0 : index
    %get3A_3 = arith.constant 0 : index
    %get3A_4 = vector.load %arg5[%get3A_2, %get3A_3] : memref<768x256xbf16, #tpu.memory_space<vmem>>, vector<768x256xbf16>
    %dot_general3A = arith.constant dense<0.000000e+00> : vector<2560x256xf32>
    %dot_general3A_5 = tpu.matmul %convert_element_type3A, %get3A_4, %dot_general3A {dimension_numbers = #tpu.dot_dimension_numbers<[1], [0], [0], [1], [0, 0, 1, 1], [], []>, transpose_lhs_hint = false} : vector<2560x768xbf16>, vector<768x256xbf16>, vector<2560x256xf32> -> vector<2560x256xf32>
    %get3A_6 = arith.constant 0 : index
    %get3A_7 = arith.constant 0 : index
    %get3A_8 = vector.load %arg4[%get3A_6, %get3A_7] : memref<2560x32xbf16, #tpu.memory_space<vmem>>, vector<2560x32xbf16>
    %get3A_9 = arith.constant 0 : index
    %get3A_10 = arith.constant 0 : index
    %get3A_11 = vector.load %arg6[%get3A_9, %get3A_10] : memref<32x256xbf16, #tpu.memory_space<vmem>>, vector<32x256xbf16>
    %dot_general3A_12 = arith.constant dense<0.000000e+00> : vector<2560x256xf32>
    %dot_general3A_13 = tpu.matmul %get3A_8, %get3A_11, %dot_general3A_12 {dimension_numbers = #tpu.dot_dimension_numbers<[1], [0], [0], [1], [0, 0, 1, 1], [], []>, transpose_lhs_hint = false} : vector<2560x32xbf16>, vector<32x256xbf16>, vector<2560x256xf32> -> vector<2560x256xf32>
    %get3A_14 = arith.constant 0 : index
    %get3A_15 = arith.constant 17 : index
    %get3A_16 = vector.load %arg4[%get3A_14, %get3A_15] : memref<2560x32xbf16, #tpu.memory_space<vmem>>, vector<2560x1xbf16>
    %convert_element_type3A_17 = arith.extf %get3A_16 : vector<2560x1xbf16> to vector<2560x1xf32>
    %get3A_18 = arith.constant 0 : index
    %get3A_19 = arith.constant 18 : index
    %get3A_20 = vector.load %arg4[%get3A_18, %get3A_19] : memref<2560x32xbf16, #tpu.memory_space<vmem>>, vector<2560x1xbf16>
    %convert_element_type3A_21 = arith.extf %get3A_20 : vector<2560x1xbf16> to vector<2560x1xf32>
    %get3A_22 = arith.constant 0 : index
    %get3A_23 = arith.constant 19 : index
    %get3A_24 = vector.load %arg4[%get3A_22, %get3A_23] : memref<2560x32xbf16, #tpu.memory_space<vmem>>, vector<2560x1xbf16>
    %convert_element_type3A_25 = arith.extf %get3A_24 : vector<2560x1xbf16> to vector<2560x1xf32>
    %get3A_26 = arith.constant 0 : index
    %get3A_27 = arith.constant 0 : index
    %get3A_28 = vector.load %arg2[%get3A_26, %get3A_27] : memref<2560x128xi32, #tpu.memory_space<vmem>>, vector<2560x128xi32>
    %bitcast_convert_type3A = tpu.bitcast %get3A_28 : vector<2560x128xi32> -> vector<2560x128xi32>
    %shift_left3A = arith.constant 16 : i32
    %shift_left3A_29 = vector.broadcast %shift_left3A : i32 to vector<2560x128xi32>
    %shift_left3A_30 = arith.shli %bitcast_convert_type3A, %shift_left3A_29 : vector<2560x128xi32>
    %bitcast_convert_type3A_31 = tpu.bitcast %shift_left3A_30 : vector<2560x128xi32> -> vector<2560x128xf32>
    %and3A = arith.constant -65536 : i32
    %and3A_32 = vector.broadcast %and3A : i32 to vector<2560x128xi32>
    %and3A_33 = arith.andi %bitcast_convert_type3A, %and3A_32 : vector<2560x128xi32>
    %bitcast_convert_type3A_34 = tpu.bitcast %and3A_33 : vector<2560x128xi32> -> vector<2560x128xf32>
    %concatenate3A = tpu.concatenate %bitcast_convert_type3A_31, %bitcast_convert_type3A_34 in 1 : vector<2560x128xf32>, vector<2560x128xf32> -> vector<2560x256xf32>
    %add3A = arith.addf %concatenate3A, %dot_general3A_13 : vector<2560x256xf32>
    %gt3A = arith.constant 0.000000e+00 : f32
    %gt3A_35 = vector.broadcast %gt3A : f32 to vector<2560x1xf32>
    %gt3A_36 = arith.cmpf ogt, %convert_element_type3A_17, %gt3A_35 : vector<2560x1xf32>
    %jit3A = arith.constant 0.000000e+00 : f32
    %broadcast_in_dim3A = vector.shape_cast %gt3A_36 : vector<2560x1xi1> to vector<2560x1xi1>
    %broadcast_in_dim3A_37 = vector.broadcast %broadcast_in_dim3A : vector<2560x1xi1> to vector<2560x256xi1>
    %broadcast_in_dim3A_38 = vector.broadcast %jit3A : f32 to vector<2560x256xf32>
    %select_n3A = arith.select %broadcast_in_dim3A_37, %dot_general3A_5, %broadcast_in_dim3A_38 : vector<2560x256xi1>, vector<2560x256xf32>
    %add3A_39 = arith.addf %add3A, %select_n3A : vector<2560x256xf32>
    %get3A_40 = arith.constant 0 : index
    %get3A_41 = arith.constant 0 : index
    %get3A_42 = vector.load %arg3[%get3A_40, %get3A_41] : memref<2560x128xi32, #tpu.memory_space<vmem>>, vector<2560x128xi32>
    %bitcast_convert_type3A_43 = tpu.bitcast %get3A_42 : vector<2560x128xi32> -> vector<2560x128xi32>
    %shift_left3A_44 = arith.constant 16 : i32
    %shift_left3A_45 = vector.broadcast %shift_left3A_44 : i32 to vector<2560x128xi32>
    %shift_left3A_46 = arith.shli %bitcast_convert_type3A_43, %shift_left3A_45 : vector<2560x128xi32>
    %bitcast_convert_type3A_47 = tpu.bitcast %shift_left3A_46 : vector<2560x128xi32> -> vector<2560x128xf32>
    %and3A_48 = arith.constant -65536 : i32
    %and3A_49 = vector.broadcast %and3A_48 : i32 to vector<2560x128xi32>
    %and3A_50 = arith.andi %bitcast_convert_type3A_43, %and3A_49 : vector<2560x128xi32>
    %bitcast_convert_type3A_51 = tpu.bitcast %and3A_50 : vector<2560x128xi32> -> vector<2560x128xf32>
    %concatenate3A_52 = tpu.concatenate %bitcast_convert_type3A_47, %bitcast_convert_type3A_51 in 1 : vector<2560x128xf32>, vector<2560x128xf32> -> vector<2560x256xf32>
    %mul3A = vector.broadcast %convert_element_type3A_21 : vector<2560x1xf32> to vector<2560x256xf32>
    %mul3A_53 = arith.mulf %mul3A, %concatenate3A_52 : vector<2560x256xf32>
    %add3A_54 = arith.addf %add3A_39, %mul3A_53 : vector<2560x256xf32>
    %reduce_sum3A = arith.constant dense<0.000000e+00> : vector<2560xf32>
    %reduce_sum3A_55 = vector.multi_reduction <add>, %add3A_54, %reduce_sum3A [1] : vector<2560x256xf32> to vector<2560xf32>
    %broadcast_in_dim3A_56 = vector.shape_cast %reduce_sum3A_55 : vector<2560xf32> to vector<2560x1xf32>
    %div3A = arith.constant 2.560000e+02 : f32
    %div3A_57 = vector.broadcast %div3A : f32 to vector<2560x1xf32>
    %div3A_58 = arith.divf %broadcast_in_dim3A_56, %div3A_57 : vector<2560x1xf32>
    %sub3A = vector.broadcast %div3A_58 : vector<2560x1xf32> to vector<2560x256xf32>
    %sub3A_59 = arith.subf %add3A_54, %sub3A : vector<2560x256xf32>
    %mul3A_60 = arith.mulf %sub3A_59, %sub3A_59 : vector<2560x256xf32>
    %reduce_sum3A_61 = arith.constant dense<0.000000e+00> : vector<2560xf32>
    %reduce_sum3A_62 = vector.multi_reduction <add>, %mul3A_60, %reduce_sum3A_61 [1] : vector<2560x256xf32> to vector<2560xf32>
    %broadcast_in_dim3A_63 = vector.shape_cast %reduce_sum3A_62 : vector<2560xf32> to vector<2560x1xf32>
    %div3A_64 = arith.constant 2.560000e+02 : f32
    %div3A_65 = vector.broadcast %div3A_64 : f32 to vector<2560x1xf32>
    %div3A_66 = arith.divf %broadcast_in_dim3A_63, %div3A_65 : vector<2560x1xf32>
    %add3A_67 = arith.constant 9.99999997E-7 : f32
    %add3A_68 = vector.broadcast %add3A_67 : f32 to vector<2560x1xf32>
    %add3A_69 = arith.addf %div3A_66, %add3A_68 : vector<2560x1xf32>
    %rsqrt3A = math.rsqrt %add3A_69 : vector<2560x1xf32>
    %mul3A_70 = vector.broadcast %rsqrt3A : vector<2560x1xf32> to vector<2560x256xf32>
    %mul3A_71 = arith.mulf %sub3A_59, %mul3A_70 : vector<2560x256xf32>
    %get3A_72 = arith.constant 0 : index
    %get3A_73 = arith.constant 0 : index
    %get3A_74 = vector.load %arg7[%get3A_72, %get3A_73] : memref<1x256xf32, #tpu.memory_space<vmem>>, vector<1x256xf32>
    %mul3A_75 = vector.broadcast %get3A_74 : vector<1x256xf32> to vector<2560x256xf32>
    %mul3A_76 = arith.mulf %mul3A_71, %mul3A_75 : vector<2560x256xf32>
    %sub3A_77 = arith.constant 1.000000e+00 : f32
    %sub3A_78 = vector.broadcast %sub3A_77 : f32 to vector<2560x1xf32>
    %sub3A_79 = arith.subf %sub3A_78, %convert_element_type3A_25 : vector<2560x1xf32>
    %mul3A_80 = vector.broadcast %sub3A_79 : vector<2560x1xf32> to vector<2560x256xf32>
    %mul3A_81 = arith.mulf %mul3A_76, %mul3A_80 : vector<2560x256xf32>
    %swap3A = arith.constant 0 : index
    %swap3A_82 = arith.constant 0 : index
    %swap3A_83 = vector.load %arg8[%swap3A, %swap3A_82] : memref<2560x256xf32, #tpu.memory_space<vmem>>, vector<2560x256xf32>
    tpu.vector_store %arg8[%swap3A, %swap3A_82], %mul3A_81 {strides = array<i32>} : memref<2560x256xf32, #tpu.memory_space<vmem>>, vector<2560x256xf32>,
    return
  }
  func.func @transform_0(%arg0: i32) -> (i32, i32) {
    %c0_i32 = arith.constant 0 : i32
    %c0_i32_0 = arith.constant 0 : i32
    return %arg0, %c0_i32 : i32, i32
  }
  func.func @transform_1(%arg0: i32) -> (i32, i32) {
    %c0_i32 = arith.constant 0 : i32
    %c0_i32_0 = arith.constant 0 : i32
    return %arg0, %c0_i32 : i32, i32
  }
  func.func @transform_2(%arg0: i32) -> (i32, i32) {
    %c0_i32 = arith.constant 0 : i32
    %c0_i32_0 = arith.constant 0 : i32
    return %arg0, %c0_i32 : i32, i32
  }
  func.func @transform_3(%arg0: i32) -> (i32, i32) {
    %add3A = arith.constant 0 : i32
    %add3A_0 = arith.addi %arg0, %add3A : i32
    %c0_i32 = arith.constant 0 : i32
    %c0_i32_1 = arith.constant 0 : i32
    return %add3A_0, %c0_i32 : i32, i32
  }
  func.func @transform_4(%arg0: i32) -> (i32, i32) {
    %c0_i32 = arith.constant 0 : i32
    %c0_i32_0 = arith.constant 0 : i32
    %c0_i32_1 = arith.constant 0 : i32
    return %c0_i32, %c0_i32_0 : i32, i32
  }
  func.func @transform_5(%arg0: i32) -> (i32, i32) {
    %c0_i32 = arith.constant 0 : i32
    %c0_i32_0 = arith.constant 0 : i32
    %c0_i32_1 = arith.constant 0 : i32
    return %c0_i32, %c0_i32_0 : i32, i32
  }
  func.func @transform_6(%arg0: i32) -> (i32, i32) {
    %c0_i32 = arith.constant 0 : i32
    %c0_i32_0 = arith.constant 0 : i32
    %c0_i32_1 = arith.constant 0 : i32
    return %c0_i32, %c0_i32_0 : i32, i32
  }
  func.func @transform_7(%arg0: i32) -> (i32, i32) {
    %c0_i32 = arith.constant 0 : i32
    %c0_i32_0 = arith.constant 0 : i32
    return %arg0, %c0_i32 : i32, i32
  }
}

</mosaic_0001>

<sc_bundles>
// kernel: kernel.6.cloned.1.call-start
scs
__scs_entry_jumppad:
0x0: {  	(pc) =	sbr.rel $0x88, $3  }
0x1: {  	(tag) =	ssettag $0x0;
	lr =	simm.s32 $0x1  }
0x2: {  	[smem:$0x3F85] =	sst lr;
	_ =	strace $0xD0000000  }
0x3: {  	_ = 	snop  }
0x4: {  	_ = 	snop  }
0x5: {  	_ = 	snop  }
0x6: {  	_ = 	snop  }
0x7: {  	_ = 	snop  }
__scs_overlays_trampoline_lowered:
0x8: {  	[smem:$0x3F94] =	sst s0  }
0x9: {  	[smem:$0x3F95] =	sst s1  }
0xa: {  	[smem:$0x3F96] =	sst s2  }
0xb: {  	[smem:$0x3F97] =	sst s3  }
0xc: {  	[smem:$0x3F98] =	sst s4  }
0xd: {  	[smem:$0x3F99] =	sst s5  }
0xe: {  	[smem:$0x3F9A] =	sst s6  }
0xf: {  	[smem:$0x3F9B] =	sst s7  }
0x10: {  	[smem:$0x3F9C] =	sst s8  }
0x11: {  	[smem:$0x3F9D] =	sst s9;
	s0 =	simm.s32 @!p0 $0x0  }
0x12: {  	s1 =	sld [smem:$0x3F83];
	s0 =	simm.s32 @p0 $0x1  }
0x13: {  	[smem:$0x3F9E] =	sst s0;
	s0 =	simm.s32 @!p1 $0x0  }
0x14: {  	s2 =	sld [smem:$0x3F82];
	s0 =	simm.s32 @p1 $0x1  }
0x15: {  	[smem:$0x3F9F] =	sst s0;
	s0 =	simm.s32 @!p2 $0x0  }
0x16: {  	s3 =	sld [smem:$0x3FDB];
	s0 =	simm.s32 @p2 $0x1  }
0x17: {  	s4 =	simm.s32 $0x1BF5;
	[smem:$0x3FA1] =	sst s0  }
0x18: {  	s0 =	sld [smem:$0x3F84];
	_ =	swait.ge [sflag:s4], $0x0  }
0x19: {  	s7 =	sld [smem:$0x3F85]  }
0x1a: {  	s8 =	sadd.s32 $0xFFFFE003, lr  }
0x1b: {  	s9 =	sadd.s32 $0xFFFFFEF7, lr;
	s5 =	simm.s32 $0xFFFFFFFF;
	p2 =	slt.u32 s8, $0xFFFFF086  }
0x1c: {  	p1 =	slt.u32 s9, $0xF7A;
	s5 =	simm.s32 @!p2 $0x0  }
0x1d: {  	s5 =	simm.s32 @p1 $0x1;
	p0 =	seq.s32 s7, s2  }
0x1e: {  	s7 =	smul.u32 @!p0 $0xF7A, s2;
	p2 =	seq.s32 @!p0 s5, $0x0  }
0x1f: {  	s9 =	smul.u32 $0xF7A, s1;
	s8 =	simm.s32 @!p0 $0x1BF5;
	p2 =	por !p2, p0  }
0x20: {  	[sflag:s8] =	ssyncset.s32 @!p0 $0xFFFFF086;
	s6 =	sadd.s32 @!p0 s3, s7;
	s7 =	simm.s32 @!p0 $0x108  }
0x21: {  	s3 =	sadd.s32 s3, s9;
	s6 =	sadd.s32 @!p0 $0x88, s6;
	s7 =	simm.s32 @p2 $0x1082  }
0x22: {  	[simem:s7], [sflag:s8] =	dma.local @!p0 [hbm:s6], $0xF7A  }
0x23: {  	s9 =	sor.u32 $0xD0000000, s2;
	s6 =	simm.s32 $0x108;
	_ =	swait.ge @!p0 [sflag:s8], $0x0  }
0x24: {  	s3 =	sadd.s32 $0x88, s3;
	s6 =	simm.s32 @!p1 $0x1082;
	[sflag:s4] =	ssyncset.s32 $0xFFFFF086  }
0x25: {  	[simem:s6], [sflag:s4] =	dma.local [hbm:s3], $0xF7A  }
0x26: {  	[smem:$0x3F85] =	sst s1;
	(tag) =	ssettag s2;
	_ =	strace s9  }
0x27: {  	s1 =	sld [smem:$0x3F95]  }
0x28: {  	s2 =	sld [smem:$0x3F96]  }
0x29: {  	s4 =	sld [smem:$0x3F98]  }
0x2a: {  	p0 =	seq.s32 s5, $0x0;
	s5 =	sld [smem:$0x3F99]  }
0x2b: {  	s6 =	sld [smem:$0x3F9A]  }
0x2c: {  	s7 =	sld [smem:$0x3F9B]  }
0x2d: {  	s3 =	simm.s32 $0x108;
	s8 =	sld [smem:$0x3F9C]  }
0x2e: {  	s3 =	simm.s32 @!p0 $0x1082;
	s9 =	sld [smem:$0x3F9D]  }
0x2f: {  	lr =	sadd.s32 s0, s3;
	s0 =	sld [smem:$0x3F94]  }
0x30: {  	s3 =	sld [smem:$0x3F97]  }
0x31: {  	[smem:$0x3FA0] =	sst s10  }
0x32: {  	s10 =	sld [smem:$0x3F9E];
	_ =	sdelay $0x3  }
0x33: {  	p0 =	seq.s32 s10, $0x1;
	s10 =	sld [smem:$0x3FA0];
	_ =	sdelay $0x3  }
0x34: {  	[smem:$0x3FA0] =	sst s10  }
0x35: {  	s10 =	sld [smem:$0x3F9F];
	_ =	sdelay $0x3  }
0x36: {  	p1 =	seq.s32 s10, $0x1;
	s10 =	sld [smem:$0x3FA0];
	_ =	sdelay $0x3  }
0x37: {  	[smem:$0x3FA0] =	sst s10  }
0x38: {  	s10 =	sld [smem:$0x3FA1]  }
0x39: {  	_ = 	snop;
	(pc) =	sbr.ind lr, $3  }
0x3a: {  	_ = 	snop  }
0x3b: {  	_ = 	snop  }
0x3c: {  	p2 =	seq.s32 s10, $0x1;
	s10 =	sld [smem:$0x3FA0]  }
0x3d: {  	_ =	shalt  }
0x3e: {  	_ =	shalt  }
0x3f: {  	_ =	shalt  }
0x40: {  	_ =	shalt  }
0x41: {  	_ =	shalt  }
0x42: {  	_ =	shalt  }
0x43: {  	_ =	shalt  }
0x44: {  	_ =	shalt  }
0x45: {  	_ =	shalt  }
0x46: {  	_ =	shalt  }
0x47: {  	_ =	shalt  }
0x48: {  	_ =	shalt  }
0x49: {  	_ =	shalt  }
0x4a: {  	_ =	shalt  }
0x4b: {  	_ =	shalt  }
0x4c: {  	_ =	shalt  }
0x4d: {  	_ =	shalt  }
0x4e: {  	_ =	shalt  }
0x4f: {  	_ =	shalt  }
0x50: {  	_ =	shalt  }
0x51: {  	_ =	shalt  }
0x52: {  	_ =	shalt  }
0x53: {  	_ =	shalt  }
0x54: {  	_ =	shalt  }
0x55: {  	_ =	shalt  }
0x56: {  	_ =	shalt  }
0x57: {  	_ =	shalt  }
0x58: {  	_ =	shalt  }
0x59: {  	_ =	shalt  }
0x5a: {  	_ =	shalt  }
0x5b: {  	_ =	shalt  }
0x5c: {  	_ =	shalt  }
0x5d: {  	_ =	shalt  }
0x5e: {  	_ =	shalt  }
0x5f: {  	_ =	shalt  }
0x60: {  	_ =	shalt  }
0x61: {  	_ =	shalt  }
0x62: {  	_ =	shalt  }
0x63: {  	_ =	shalt  }
0x64: {  	_ =	shalt  }
0x65: {  	_ =	shalt  }
0x66: {  	_ =	shalt  }
0x67: {  	_ =	shalt  }
0x68: {  	_ =	shalt  }
0x69: {  	_ =	shalt  }
0x6a: {  	_ =	shalt  }
0x6b: {  	_ =	shalt  }
0x6c: {  	_ =	shalt  }
0x6d: {  	_ =	shalt  }
0x6e: {  	_ =	shalt  }
0x6f: {  	_ =	shalt  }
0x70: {  	_ =	shalt  }
0x71: {  	_ =	shalt  }
0x72: {  	_ =	shalt  }
0x73: {  	_ =	shalt  }
0x74: {  	_ =	shalt  }
0x75: {  	_ =	shalt  }
0x76: {  	_ =	shalt  }
0x77: {  	_ =	shalt  }
0x78: {  	_ =	shalt  }
0x79: {  	_ =	shalt  }
0x7a: {  	_ =	shalt  }
0x7b: {  	_ =	shalt  }
0x7c: {  	_ =	shalt  }
0x7d: {  	_ =	shalt  }
0x7e: {  	_ =	shalt  }
0x7f: {  	_ =	shalt  }
0x80: {  	_ =	shalt  }
0x81: {  	_ =	shalt  }
0x82: {  	_ =	shalt  }
0x83: {  	_ =	shalt  }
0x84: {  	_ =	shalt  }
0x85: {  	_ =	shalt  }
0x86: {  	_ =	shalt  }
0x87: {  	_ =	shalt  }
.Lfunc_end0:
.L_simem_size_0:
called_computation_lowered:
.L_overlay_start_0:
0x88: {  	s2 =	sld [smem:$0x3FD9]  }
0x89: {  	s3 =	sld [smem:$0x3FFE];
	_ =	sdelay $0x1  }
0x8a: {  	s1 =	srdreg.scid  }
0x8b: {  	s0 =	sand.u32 $0x1, s1  }
0x8c: {  	s17 =	sshll.u32 s0, $0xA;
	s2 =	sadd.s32 s3, s2  }
0x8d: {  	s2 =	sadd.s32 s2, s17  }
0x8e: {  	[smem:$0x3FAC] =	sst s2  }
0x8f: {  	_ = 	snop  }
0x90: {  	s2 =	sld [smem:$0x3FBE]  }
0x91: {  	s18 =	sld [smem:$0x3FD0];
	(tm) =	ssettm $0x1  }
0x92: {  	s4 =	sld [smem:$0x3FFB];
	_ =	sdelay $0x3  }
0x93: {  	_ =	strace s4  }
0x94: {  	s4 =	sld [smem:$0x3FFC];
	_ =	sdelay $0x3  }
0x95: {  	_ =	strace s4  }
0x96: {  	s4 =	sld [smem:$0x3FFD];
	_ =	sdelay $0x3  }
0x97: {  	_ =	strace s4  }
0x98: {  	_ =	strace $0x8FFFFFFF  }
0x99: {  	s19 =	sld [smem:$0x3FDB];
	_ =	sdelay $0x1  }
0x9a: {  	s5 =	simm.s32 $_scs_section_size  }
0x9b: {  	s6 =	simm.s32 $_size__tile_overlayer_lowered;
	s7 =	simm.s32 $_tile_overlayer_lowered  }
0x9c: {  	s22 =	simm.s32 $0x1BFF;
	s21 =	sshll.u32 s7, $0x1;
	s4 =	sadd.s32 s5, s19  }
0x9d: {  	s8 =	simm.s32 $0x0;
	s20 =	sshll.u32 s6, $0x1;
	s6 =	sadd.s32 s21, s4  }
0x9e: {  	[timem:s8], [sflag:s22] =	dma.local [hbm:s6], s20  }
0x9f: {  	_ =	swait.ge [sflag:s22], s20  }
0xa0: {  	s5 =	ssub.s32 $0x0, s20;
	[sflag:s22] =	ssyncset.done $0x0  }
0xa1: {  	[sflag:s22] =	ssyncadd.s32 s5;
	_ =	sdelay $0x1  }
0xa2: {  	s23 =	simm.s32 $0x1B8B  }
0xa3: {  	_ =	swait.ge [sflag:s23], $0x1  }
0xa4: {  	[sflag:s23] =	ssyncset.done $0x0  }
0xa5: {  	s25 =	simm.s32 $0x1B8E;
	s24 =	sld [smem:$0x3FFE];
	[sflag:s23] =	ssyncadd.s32 $0xFFFFFFFF  }
0xa6: {  	s26 =	simm.s32 $execute0_lowered;
	[smem:$0x3FD2] =	sst s25  }
0xa7: {  	s6 =	sshll.u32 s26, $0x1;
	_ =	strace $0x80000046;
	[dreg:$0x1] =	wrdreg $0xFFFFFFFF  }
0xa8: {  	s28 =	simm.s32 $_size_execute0_lowered;
	s4 =	sadd.s32 s4, s6;
	[dreg:$0x0] =	wrdreg $0x0  }
0xa9: {  	s6 =	sshll.u32 s28, $0x1;
	[dreg:$0x2] =	wrdreg s4  }
0xaa: {  	[dreg:$0x3] =	wrdreg s6  }
0xab: {  	[dreg:$0x4] =	wrdreg $0xC0  }
0xac: {  	_ =	task [dreg:s8], $0x5FFFF  }
0xad: {  	[dreg:$0x1] =	wrdreg $0xFFFFFFFF  }
0xae: {  	[dreg:$0x0] =	wrdreg $0x60  }
0xaf: {  	[dreg:$0x2] =	wrdreg s2  }
0xb0: {  	[dreg:$0x3] =	wrdreg s18  }
0xb1: {  	[dreg:$0x4] =	wrdreg s24  }
0xb2: {  	[dreg:$0x5] =	wrdreg $0x9  }
0xb3: {  	_ =	task.clear_ibuf [dreg:s8], $0x6FFFF;
	_ =	strace $0x90000046  }
0xb4: {  	s29 =	simm.s32 $0x9;
	_ =	strace $0x80000048  }
0xb5: {  	_ =	swait.ge [sflag:s29], $0x1  }
0xb6: {  	[sflag:s29] =	ssyncadd.s32 $0xFFFFFFFF  }
0xb7: {  	_ =	strace $0x90000048  }
0xb8: {  	_ =	sfence  }
0xb9: {  	s30 =	sld [smem:$0x0];
	_ =	sdelay $0x2  }
0xba: {  	s31 =	sshll.u32 s1, $0xD;
	s1 =	sshrl.u32 s1, $0x2  }
0xbb: {  	s3 =	sand.u32 $0x4000, s31;
	s1 =	sadd.s32 s1, s30  }
0xbc: {  	s0 =	sor.u32 s3, s0;
	s1 =	sshll.u32 s1, $0x11  }
0xbd: {  	s0 =	sor.u32 s1, s0  }
0xbe: {  	s0 =	sadd.s32 $0x8F2B, s0  }
0xbf: {  	[sflag:s0] =	ssyncadd.remote.s32 $0x1  }
0xc0: {  	_ =	sfence.sel $0xFFFF  }
0xc1: {  	[dreg:$0x0] =	wrdreg $0xFFFFFFFF;
	(pc) =	sbr.abs _section_cstart, $3  }
0xc2: {  	[dreg:$0x1] =	wrdreg $0xFFFFFFFF  }
0xc3: {  	_ =	task.clear_ibuf [dreg:s8], $0x2FFFF;
	_ =	strace $0x9FFFFFFF  }
0xc4: {  	(tm) =	ssettm $0x7FFFFFFF  }
0xc5: {  	_ =	shalt  }
tec
execute0_lowered:
.L_overlay_start_1:
0x0: {  	(tag) =	ssettag $0x1  }
0x1: {  	s1 =	rddreg [dreg:$0x0]  }
0x2: {  	s0 =	rddreg [dreg:$0x1]  }
0x3: {  	s2 =	rddreg [dreg:$0x2]  }
0x4: {  	s3 =	srdreg.scid;
	s5 =	stileid.u32;
	s11 =	simm.s32 $0xB80  }
0x5: {  	s10 =	simm.s32 $0x2380;
	s13 =	simm.s32 $0x3380;
	s15 =	simm.s32 $0x3B80  }
0x6: {  	s16 =	simm.s32 $0x4380;
	s17 =	simm.s32 $0x4B80;
	s18 =	simm.s32 $0x5380  }
0x7: {  	s19 =	simm.s32 $0x5B80;
	s14 =	simm.s32 $0x9380;
	s28 =	simm.s32 $0xA380  }
0x8: {  	s29 =	simm.s32 $0xAB80;
	s20 =	simm.s32 $0x1;
	s12 =	simm.s32 $0xF380  }
0x9: {  	s30 =	simm.s32 $0x2;
	s31 =	simm.s32 $0x3;
	s6 =	sand.u32 $0x1, s3  }
0xa: {  	s4 =	sshll.u32 s5, $0x1;
	s5 =	smul.u32 $0x640, s5;
	s3 =	simm.s32 $0x0  }
0xb: {  	s21 =	sadd.s32 $0x5200, s2;
	s4 =	sor.u32 s6, s4;
	s7 =	smul.u32 $0x320, s6  }
0xc: {  	[smem:$0x7FF] =	sst s3;
	s22 =	ssub.s32 $0x2, s6;
	s8 =	smul.u32 $0x320, s4  }
0xd: {  	_ =	strace $0x80000047;
	s24 =	sshrl.u32 s22, $0x1;
	[dreg:$0x9] =	wrdreg s21  }
0xe: {  	s4 =	simm.s32 $0x8B80;
	s5 =	sadd.s32 s7, s5;
	s2 =	ssub.s32 s22, s24  }
0xf: {  	s22 =	simm.s32 $0x6380;
	s24 =	simm.s32 $0x7380;
	s23 =	sshrl.u32 s8, $0x3  }
0x10: {  	[dreg:$0xa] =	wrdreg s5;
	s7 =	sadd.s32 $0x50, s5;
	s8 =	sadd.s32 $0x200, s1  }
0x11: {  	s2 =	smax.u32 s2, $0x1;
	s5 =	simm.s32 $0x2B80;
	s9 =	smul.u32 $0x300, s23  }
0x12: {  	s7 =	sshrl.u32 s7, $0x3;
	s0 =	sadd.s32 s0, s23;
	[dreg:$0x7] =	wrdreg s2  }
0x13: {  	s23 =	simm.s32 $0x6B80;
	s2 =	simm.s32 $0x0;
	[dreg:$0x4] =	wrdreg s0  }
0x14: {  	s25 =	smul.u32 $0x300, s7;
	[dreg:$0xb] =	wrdreg s2;
	s26 =	sadd.s32 s21, s9  }
0x15: {  	s7 =	sadd.s32 $0x100, s1;
	s9 =	simm.s32 $0x1B80;
	[dreg:$0x5] =	wrdreg s26  }
0x16: {  	v2 =	vlaneseq.u32;
	s6 =	sadd.s32 $0x10E00, s26;
	s0 =	sadd.s32 s25, s21;
	s25 =	simm.s32 $0x7B80  }
0x17: {  	vm0 =	vmmov $0xffff;
	v1 =	vshrl.u32 v2, $0x3;
	s26 =	simm.s32 $0x8380;
	s21 =	simm.s32 $0x9B80;
	[dreg:$0x6] =	wrdreg s6  }
0x18: {  	v0 =	vand.u32 $0x7, v2;
	v2 =	vor.u32 $0x8, v2;
	v1 =	vmul.u32 $0x8, v1;
	[dreg:$0x8] =	wrdreg s0;
	s6 =	simm.s32 $0x1380;
	s0 =	simm.s32 $0x4  }
.LBB2_1:
0x19: {  	s2 =	rddreg [dreg:$0x4]  }
0x1a: {  	[tilespmem:s3], [sflag:$0x5] =	stream.linear.gather [hbm4b:s2+s3], $0x320, $0x38;
	[tilespmem:$0x1E380] =	vst v63  }
0x1b: {  	s2 =	simm.s32 $0x5  }
0x1c: {  	_ =	swait.ge [sflag:s2], $0x320  }
0x1d: {  	[sflag:s2] =	ssyncset.done $0x0  }
0x1e: {  	[sflag:s2] =	ssyncadd.s32 $0xFFFFFCE0  }
0x1f: {  	v3 =	vld [tilespmem:$0x0];
	_ =	sdelay $0x4  }
0x20: {  	v4 =	vshrl.u32 v3, $0x3  }
0x21: {  	v4 =	vmul.u32 $0x30, v4  }
0x22: {  	v3 =	vand.u32 $0x7, v3  }
0x23: {  	v3 =	vor.u32 v3, v4  }
0x24: {  	v4 =	vperm.xlane v3, v0;
	_ =	sdelay $0x1  }
0x25: {  	v4 =	vadd.s32 v1, v4;
	_ =	sdelay $0x3  }
0x26: {  	s2 =	simm.s32 $0x380;
	v3 =	vperm.xlane v3, v2  }
0x27: {  	[tilespmem:s2], [sflag:$0x1] =	stream.indirect_vreg.gather [hbm4b:s1+s3], $0x80, v4, vm0, $0xb8;
	[tilespmem:$0x1E380] =	vst v63  }
0x28: {  	v3 =	vadd.s32 v1, v3  }
0x29: {  	[tilespmem:s11], [sflag:$0x1] =	stream.indirect_vreg.gather [hbm4b:s7+s3], $0x80, v4, vm0, $0xb8;
	[tilespmem:$0x1E380] =	vst v63  }
0x2a: {  	_ = 	snop  }
0x2b: {  	[tilespmem:s6], [sflag:$0x1] =	stream.indirect_vreg.gather [hbm4b:s8+s3], $0x80, v4, vm0, $0xb8;
	[tilespmem:$0x1E380] =	vst v63  }
0x2c: {  	_ = 	snop  }
0x2d: {  	[tilespmem:s9], [sflag:$0x1] =	stream.indirect_vreg.gather [hbm4b:s1+s3], $0x80, v3, vm0, $0xb8;
	[tilespmem:$0x1E380] =	vst v63  }
0x2e: {  	_ = 	snop  }
0x2f: {  	[tilespmem:s10], [sflag:$0x1] =	stream.indirect_vreg.gather [hbm4b:s7+s3], $0x80, v3, vm0, $0xb8;
	[tilespmem:$0x1E380] =	vst v63  }
0x30: {  	_ = 	snop  }
0x31: {  	[tilespmem:s5], [sflag:$0x1] =	stream.indirect_vreg.gather [hbm4b:s8+s3], $0x80, v3, vm0, $0xb8;
	[tilespmem:$0x1E380] =	vst v63  }
0x32: {  	v3 =	vld [tilespmem:$0x10];
	_ =	sdelay $0x4  }
0x33: {  	v55 =	vshrl.u32 v3, $0x3  }
0x34: {  	v4 =	vmul.u32 $0x30, v55  }
0x35: {  	v3 =	vand.u32 $0x7, v3  }
0x36: {  	v3 =	vor.u32 v3, v4  }
0x37: {  	v4 =	vperm.xlane v3, v0;
	_ =	sdelay $0x1  }
0x38: {  	v4 =	vadd.s32 v1, v4;
	_ =	sdelay $0x3  }
0x39: {  	v3 =	vperm.xlane v3, v2  }
0x3a: {  	[tilespmem:s13], [sflag:$0x1] =	stream.indirect_vreg.gather [hbm4b:s1+s3], $0x80, v4, vm0, $0xb8;
	[tilespmem:$0x1E380] =	vst v63  }
0x3b: {  	v3 =	vadd.s32 v1, v3  }
0x3c: {  	[tilespmem:s15], [sflag:$0x1] =	stream.indirect_vreg.gather [hbm4b:s7+s3], $0x80, v4, vm0, $0xb8;
	[tilespmem:$0x1E380] =	vst v63  }
0x3d: {  	_ = 	snop  }
0x3e: {  	[tilespmem:s16], [sflag:$0x1] =	stream.indirect_vreg.gather [hbm4b:s8+s3], $0x80, v4, vm0, $0xb8;
	[tilespmem:$0x1E380] =	vst v63  }
0x3f: {  	_ = 	snop  }
0x40: {  	[tilespmem:s17], [sflag:$0x1] =	stream.indirect_vreg.gather [hbm4b:s1+s3], $0x80, v3, vm0, $0xb8;
	[tilespmem:$0x1E380] =	vst v63  }
0x41: {  	_ = 	snop  }
0x42: {  	[tilespmem:s18], [sflag:$0x1] =	stream.indirect_vreg.gather [hbm4b:s7+s3], $0x80, v3, vm0, $0xb8;
	[tilespmem:$0x1E380] =	vst v63  }
0x43: {  	_ = 	snop  }
0x44: {  	[tilespmem:s19], [sflag:$0x1] =	stream.indirect_vreg.gather [hbm4b:s8+s3], $0x80, v3, vm0, $0xb8;
	[tilespmem:$0x1E380] =	vst v63  }
0x45: {  	v3 =	vld [tilespmem:$0x20];
	_ =	sdelay $0x4  }
0x46: {  	v56 =	vshrl.u32 v3, $0x3  }
0x47: {  	v4 =	vmul.u32 $0x30, v56  }
0x48: {  	v3 =	vand.u32 $0x7, v3  }
0x49: {  	v3 =	vor.u32 v3, v4  }
0x4a: {  	v4 =	vperm.xlane v3, v0;
	_ =	sdelay $0x1  }
0x4b: {  	v4 =	vadd.s32 v1, v4;
	_ =	sdelay $0x3  }
0x4c: {  	v3 =	vperm.xlane v3, v2  }
0x4d: {  	[tilespmem:s22], [sflag:$0x1] =	stream.indirect_vreg.gather [hbm4b:s1+s3], $0x80, v4, vm0, $0xb8;
	[tilespmem:$0x1E380] =	vst v63  }
0x4e: {  	v3 =	vadd.s32 v1, v3  }
0x4f: {  	[tilespmem:s23], [sflag:$0x1] =	stream.indirect_vreg.gather [hbm4b:s7+s3], $0x80, v4, vm0, $0xb8;
	[tilespmem:$0x1E380] =	vst v63  }
0x50: {  	_ = 	snop  }
0x51: {  	[tilespmem:s24], [sflag:$0x1] =	stream.indirect_vreg.gather [hbm4b:s8+s3], $0x80, v4, vm0, $0xb8;
	[tilespmem:$0x1E380] =	vst v63  }
0x52: {  	_ = 	snop  }
0x53: {  	[tilespmem:s25], [sflag:$0x1] =	stream.indirect_vreg.gather [hbm4b:s1+s3], $0x80, v3, vm0, $0xb8;
	[tilespmem:$0x1E380] =	vst v63  }
0x54: {  	_ = 	snop  }
0x55: {  	[tilespmem:s26], [sflag:$0x1] =	stream.indirect_vreg.gather [hbm4b:s7+s3], $0x80, v3, vm0, $0xb8;
	[tilespmem:$0x1E380] =	vst v63  }
0x56: {  	_ = 	snop  }
0x57: {  	[tilespmem:s4], [sflag:$0x1] =	stream.indirect_vreg.gather [hbm4b:s8+s3], $0x80, v3, vm0, $0xb8;
	[tilespmem:$0x1E380] =	vst v63  }
0x58: {  	v3 =	vld [tilespmem:$0x30];
	_ =	sdelay $0x4  }
0x59: {  	v57 =	vshrl.u32 v3, $0x3  }
0x5a: {  	v4 =	vmul.u32 $0x30, v57  }
0x5b: {  	v3 =	vand.u32 $0x7, v3  }
0x5c: {  	v3 =	vor.u32 v3, v4  }
0x5d: {  	v4 =	vperm.xlane v3, v0;
	_ =	sdelay $0x1  }
0x5e: {  	v4 =	vadd.s32 v1, v4;
	_ =	sdelay $0x3  }
0x5f: {  	v3 =	vperm.xlane v3, v2  }
0x60: {  	[tilespmem:s14], [sflag:$0x1] =	stream.indirect_vreg.gather [hbm4b:s1+s3], $0x80, v4, vm0, $0xb8;
	[tilespmem:$0x1E380] =	vst v63  }
0x61: {  	v3 =	vadd.s32 v1, v3  }
0x62: {  	[tilespmem:s21], [sflag:$0x1] =	stream.indirect_vreg.gather [hbm4b:s7+s3], $0x80, v4, vm0, $0xb8;
	[tilespmem:$0x1E380] =	vst v63  }
0x63: {  	_ = 	snop  }
0x64: {  	[tilespmem:s28], [sflag:$0x1] =	stream.indirect_vreg.gather [hbm4b:s8+s3], $0x80, v4, vm0, $0xb8;
	[tilespmem:$0x1E380] =	vst v63  }
0x65: {  	_ = 	snop  }
0x66: {  	[tilespmem:s29], [sflag:$0x1] =	stream.indirect_vreg.gather [hbm4b:s1+s3], $0x80, v3, vm0, $0xb8;
	[tilespmem:$0x1E380] =	vst v63  }
0x67: {  	s5 =	simm.s32 $0xB380  }
0x68: {  	[tilespmem:s5], [sflag:$0x1] =	stream.indirect_vreg.gather [hbm4b:s7+s3], $0x80, v3, vm0, $0xb8;
	[tilespmem:$0x1E380] =	vst v63  }
0x69: {  	s6 =	simm.s32 $0xBB80  }
0x6a: {  	[tilespmem:s6], [sflag:$0x1] =	stream.indirect_vreg.gather [hbm4b:s8+s3], $0x80, v3, vm0, $0xb8;
	[tilespmem:$0x1E380] =	vst v63  }
0x6b: {  	v3 =	vld [tilespmem:$0x40];
	_ =	sdelay $0x4  }
0x6c: {  	v58 =	vshrl.u32 v3, $0x3  }
0x6d: {  	v4 =	vmul.u32 $0x30, v58  }
0x6e: {  	v3 =	vand.u32 $0x7, v3  }
0x6f: {  	v3 =	vor.u32 v3, v4  }
0x70: {  	v4 =	vperm.xlane v3, v0;
	_ =	sdelay $0x1  }
0x71: {  	v4 =	vadd.s32 v1, v4;
	_ =	sdelay $0x3  }
0x72: {  	s9 =	simm.s32 $0xC380;
	v3 =	vperm.xlane v3, v2  }
0x73: {  	[tilespmem:s9], [sflag:$0x1] =	stream.indirect_vreg.gather [hbm4b:s1+s3], $0x80, v4, vm0, $0xb8;
	[tilespmem:$0x1E380] =	vst v63  }
0x74: {  	s10 =	simm.s32 $0xCB80;
	v3 =	vadd.s32 v1, v3  }
0x75: {  	[tilespmem:s10], [sflag:$0x1] =	stream.indirect_vreg.gather [hbm4b:s7+s3], $0x80, v4, vm0, $0xb8;
	[tilespmem:$0x1E380] =	vst v63  }
0x76: {  	s13 =	simm.s32 $0xD380  }
0x77: {  	[tilespmem:s13], [sflag:$0x1] =	stream.indirect_vreg.gather [hbm4b:s8+s3], $0x80, v4, vm0, $0xb8;
	[tilespmem:$0x1E380] =	vst v63  }
0x78: {  	s14 =	simm.s32 $0xDB80  }
0x79: {  	[tilespmem:s14], [sflag:$0x1] =	stream.indirect_vreg.gather [hbm4b:s1+s3], $0x80, v3, vm0, $0xb8;
	[tilespmem:$0x1E380] =	vst v63  }
0x7a: {  	s15 =	simm.s32 $0xE380  }
0x7b: {  	[tilespmem:s15], [sflag:$0x1] =	stream.indirect_vreg.gather [hbm4b:s7+s3], $0x80, v3, vm0, $0xb8;
	[tilespmem:$0x1E380] =	vst v63  }
0x7c: {  	s16 =	simm.s32 $0xEB80  }
0x7d: {  	[tilespmem:s16], [sflag:$0x1] =	stream.indirect_vreg.gather [hbm4b:s8+s3], $0x80, v3, vm0, $0xb8;
	[tilespmem:$0x1E380] =	vst v63  }
0x7e: {  	_ =	swait.ge [sflag:s20], $0xF000  }
0x7f: {  	[sflag:s20] =	ssyncset.done $0x0  }
0x80: {  	[sflag:s20] =	ssyncadd.s32 $0xFFFF1000  }
0x81: {  	v3 =	vld [tilespmem:$0x50];
	_ =	sdelay $0x4  }
0x82: {  	v59 =	vshrl.u32 v3, $0x3  }
0x83: {  	v4 =	vmul.u32 $0x30, v59  }
0x84: {  	v3 =	vand.u32 $0x7, v3  }
0x85: {  	v3 =	vor.u32 v3, v4  }
0x86: {  	v4 =	vperm.xlane v3, v0;
	_ =	sdelay $0x1  }
0x87: {  	v4 =	vadd.s32 v1, v4;
	_ =	sdelay $0x3  }
0x88: {  	v3 =	vperm.xlane v3, v2  }
0x89: {  	[tilespmem:s12], [sflag:$0x2] =	stream.indirect_vreg.gather [hbm4b:s1+s3], $0x80, v4, vm0, $0xb8;
	[tilespmem:$0x1E380] =	vst v63  }
0x8a: {  	s17 =	simm.s32 $0xFB80;
	v3 =	vadd.s32 v1, v3  }
0x8b: {  	[tilespmem:s17], [sflag:$0x2] =	stream.indirect_vreg.gather [hbm4b:s7+s3], $0x80, v4, vm0, $0xb8;
	[tilespmem:$0x1E380] =	vst v63  }
0x8c: {  	s18 =	simm.s32 $0x10380  }
0x8d: {  	[tilespmem:s18], [sflag:$0x2] =	stream.indirect_vreg.gather [hbm4b:s8+s3], $0x80, v4, vm0, $0xb8;
	[tilespmem:$0x1E380] =	vst v63  }
0x8e: {  	s19 =	simm.s32 $0x10B80  }
0x8f: {  	[tilespmem:s19], [sflag:$0x2] =	stream.indirect_vreg.gather [hbm4b:s1+s3], $0x80, v3, vm0, $0xb8;
	[tilespmem:$0x1E380] =	vst v63  }
0x90: {  	s21 =	simm.s32 $0x11380  }
0x91: {  	[tilespmem:s21], [sflag:$0x2] =	stream.indirect_vreg.gather [hbm4b:s7+s3], $0x80, v3, vm0, $0xb8;
	[tilespmem:$0x1E380] =	vst v63  }
0x92: {  	s22 =	simm.s32 $0x11B80  }
0x93: {  	[tilespmem:s22], [sflag:$0x2] =	stream.indirect_vreg.gather [hbm4b:s8+s3], $0x80, v3, vm0, $0xb8;
	[tilespmem:$0x1E380] =	vst v63  }
0x94: {  	v3 =	vld [tilespmem:$0x60];
	_ =	sdelay $0x4  }
0x95: {  	v60 =	vshrl.u32 v3, $0x3  }
0x96: {  	v4 =	vmul.u32 $0x30, v60  }
0x97: {  	v3 =	vand.u32 $0x7, v3  }
0x98: {  	v3 =	vor.u32 v3, v4  }
0x99: {  	v4 =	vperm.xlane v3, v0;
	_ =	sdelay $0x1  }
0x9a: {  	v4 =	vadd.s32 v1, v4;
	_ =	sdelay $0x3  }
0x9b: {  	s23 =	simm.s32 $0x12380;
	v3 =	vperm.xlane v3, v2  }
0x9c: {  	[tilespmem:s23], [sflag:$0x2] =	stream.indirect_vreg.gather [hbm4b:s1+s3], $0x80, v4, vm0, $0xb8;
	[tilespmem:$0x1E380] =	vst v63  }
0x9d: {  	s24 =	simm.s32 $0x12B80;
	v3 =	vadd.s32 v1, v3  }
0x9e: {  	[tilespmem:s24], [sflag:$0x2] =	stream.indirect_vreg.gather [hbm4b:s7+s3], $0x80, v4, vm0, $0xb8;
	[tilespmem:$0x1E380] =	vst v63  }
0x9f: {  	s25 =	simm.s32 $0x13380  }
0xa0: {  	[tilespmem:s25], [sflag:$0x2] =	stream.indirect_vreg.gather [hbm4b:s8+s3], $0x80, v4, vm0, $0xb8;
	[tilespmem:$0x1E380] =	vst v63  }
0xa1: {  	s26 =	simm.s32 $0x13B80  }
0xa2: {  	[tilespmem:s26], [sflag:$0x2] =	stream.indirect_vreg.gather [hbm4b:s1+s3], $0x80, v3, vm0, $0xb8;
	[tilespmem:$0x1E380] =	vst v63  }
0xa3: {  	s4 =	simm.s32 $0x14380  }
0xa4: {  	[tilespmem:s4], [sflag:$0x2] =	stream.indirect_vreg.gather [hbm4b:s7+s3], $0x80, v3, vm0, $0xb8;
	[tilespmem:$0x1E380] =	vst v63  }
0xa5: {  	s5 =	simm.s32 $0x14B80  }
0xa6: {  	[tilespmem:s5], [sflag:$0x2] =	stream.indirect_vreg.gather [hbm4b:s8+s3], $0x80, v3, vm0, $0xb8;
	[tilespmem:$0x1E380] =	vst v63  }
0xa7: {  	v3 =	vld [tilespmem:$0x70];
	_ =	sdelay $0x4  }
0xa8: {  	v61 =	vshrl.u32 v3, $0x3  }
0xa9: {  	v4 =	vmul.u32 $0x30, v61  }
0xaa: {  	v3 =	vand.u32 $0x7, v3  }
0xab: {  	v3 =	vor.u32 v3, v4  }
0xac: {  	v4 =	vperm.xlane v3, v0;
	_ =	sdelay $0x1  }
0xad: {  	v4 =	vadd.s32 v1, v4;
	_ =	sdelay $0x3  }
0xae: {  	s6 =	simm.s32 $0x15380;
	v3 =	vperm.xlane v3, v2  }
0xaf: {  	[tilespmem:s6], [sflag:$0x2] =	stream.indirect_vreg.gather [hbm4b:s1+s3], $0x80, v4, vm0, $0xb8;
	[tilespmem:$0x1E380] =	vst v63  }
0xb0: {  	s9 =	simm.s32 $0x15B80;
	v3 =	vadd.s32 v1, v3  }
0xb1: {  	[tilespmem:s9], [sflag:$0x2] =	stream.indirect_vreg.gather [hbm4b:s7+s3], $0x80, v4, vm0, $0xb8;
	[tilespmem:$0x1E380] =	vst v63  }
0xb2: {  	s10 =	simm.s32 $0x16380  }
0xb3: {  	[tilespmem:s10], [sflag:$0x2] =	stream.indirect_vreg.gather [hbm4b:s8+s3], $0x80, v4, vm0, $0xb8;
	[tilespmem:$0x1E380] =	vst v63  }
0xb4: {  	s12 =	simm.s32 $0x16B80  }
0xb5: {  	[tilespmem:s12], [sflag:$0x2] =	stream.indirect_vreg.gather [hbm4b:s1+s3], $0x80, v3, vm0, $0xb8;
	[tilespmem:$0x1E380] =	vst v63  }
0xb6: {  	s13 =	simm.s32 $0x17380  }
0xb7: {  	[tilespmem:s13], [sflag:$0x2] =	stream.indirect_vreg.gather [hbm4b:s7+s3], $0x80, v3, vm0, $0xb8;
	[tilespmem:$0x1E380] =	vst v63  }
0xb8: {  	s14 =	simm.s32 $0x17B80  }
0xb9: {  	[tilespmem:s14], [sflag:$0x2] =	stream.indirect_vreg.gather [hbm4b:s8+s3], $0x80, v3, vm0, $0xb8;
	[tilespmem:$0x1E380] =	vst v63  }
0xba: {  	v3 =	vld [tilespmem:$0x80];
	_ =	sdelay $0x4  }
0xbb: {  	v62 =	vshrl.u32 v3, $0x3  }
0xbc: {  	v4 =	vmul.u32 $0x30, v62  }
0xbd: {  	v3 =	vand.u32 $0x7, v3  }
0xbe: {  	v3 =	vor.u32 v3, v4  }
0xbf: {  	v4 =	vperm.xlane v3, v0;
	_ =	sdelay $0x1  }
0xc0: {  	v4 =	vadd.s32 v1, v4;
	_ =	sdelay $0x3  }
0xc1: {  	s15 =	simm.s32 $0x18380;
	v3 =	vperm.xlane v3, v2  }
0xc2: {  	[tilespmem:s15], [sflag:$0x2] =	stream.indirect_vreg.gather [hbm4b:s1+s3], $0x80, v4, vm0, $0xb8;
	[tilespmem:$0x1E380] =	vst v63  }
0xc3: {  	s16 =	simm.s32 $0x18B80;
	v3 =	vadd.s32 v1, v3  }
0xc4: {  	[tilespmem:s16], [sflag:$0x2] =	stream.indirect_vreg.gather [hbm4b:s7+s3], $0x80, v4, vm0, $0xb8;
	[tilespmem:$0x1E380] =	vst v63  }
0xc5: {  	s17 =	simm.s32 $0x19380  }
0xc6: {  	[tilespmem:s17], [sflag:$0x2] =	stream.indirect_vreg.gather [hbm4b:s8+s3], $0x80, v4, vm0, $0xb8;
	[tilespmem:$0x1E380] =	vst v63  }
0xc7: {  	s18 =	simm.s32 $0x19B80  }
0xc8: {  	[tilespmem:s18], [sflag:$0x2] =	stream.indirect_vreg.gather [hbm4b:s1+s3], $0x80, v3, vm0, $0xb8;
	[tilespmem:$0x1E380] =	vst v63  }
0xc9: {  	s19 =	simm.s32 $0x1A380  }
0xca: {  	[tilespmem:s19], [sflag:$0x2] =	stream.indirect_vreg.gather [hbm4b:s7+s3], $0x80, v3, vm0, $0xb8;
	[tilespmem:$0x1E380] =	vst v63  }
0xcb: {  	s21 =	simm.s32 $0x1AB80  }
0xcc: {  	[tilespmem:s21], [sflag:$0x2] =	stream.indirect_vreg.gather [hbm4b:s8+s3], $0x80, v3, vm0, $0xb8;
	[tilespmem:$0x1E380] =	vst v63  }
0xcd: {  	v3 =	vld [tilespmem:$0x90];
	_ =	sdelay $0x4  }
0xce: {  	v63 =	vshrl.u32 v3, $0x3  }
0xcf: {  	v4 =	vmul.u32 $0x30, v63  }
0xd0: {  	v3 =	vand.u32 $0x7, v3  }
0xd1: {  	v3 =	vor.u32 v3, v4  }
0xd2: {  	v4 =	vperm.xlane v3, v0;
	_ =	sdelay $0x1  }
0xd3: {  	v4 =	vadd.s32 v1, v4;
	_ =	sdelay $0x2  }
0xd4: {  	s2 =	simm.s32 $0xA0;
	s28 =	simm.s32 $0x1D380  }
0xd5: {  	s29 =	simm.s32 $0x8380;
	s22 =	simm.s32 $0x1B380;
	s23 =	simm.s32 $0x1BB80;
	v3 =	vperm.xlane v3, v2  }
0xd6: {  	[tilespmem:s22], [sflag:$0x2] =	stream.indirect_vreg.gather [hbm4b:s1+s3], $0x80, v4, vm0, $0xb8;
	[tilespmem:$0x1E380] =	vst v63  }
0xd7: {  	s24 =	simm.s32 $0x1C380;
	s25 =	rddreg [dreg:$0x5];
	s26 =	simm.s32 $0x380;
	v3 =	vadd.s32 v1, v3  }
0xd8: {  	[tilespmem:s23], [sflag:$0x2] =	stream.indirect_vreg.gather [hbm4b:s7+s3], $0x80, v4, vm0, $0xb8;
	[tilespmem:$0x1E380] =	vst v63  }
0xd9: {  	s4 =	simm.s32 $0x9380;
	s5 =	rddreg [dreg:$0x9];
	s6 =	simm.s32 $0x130  }
0xda: {  	[tilespmem:s24], [sflag:$0x2] =	stream.indirect_vreg.gather [hbm4b:s8+s3], $0x80, v4, vm0, $0xb8;
	[tilespmem:$0x1E380] =	vst v63  }
0xdb: {  	s9 =	simm.s32 $0x1B80;
	s10 =	rddreg [dreg:$0x8];
	s23 =	simm.s32 $0x1CB80  }
0xdc: {  	[tilespmem:s23], [sflag:$0x2] =	stream.indirect_vreg.gather [hbm4b:s1+s3], $0x80, v3, vm0, $0xb8;
	[tilespmem:$0x1E380] =	vst v63  }
0xdd: {  	s13 =	simm.s32 $0x2380;
	s14 =	rddreg [dreg:$0xa];
	s15 =	simm.s32 $0x9B80  }
0xde: {  	[tilespmem:s28], [sflag:$0x2] =	stream.indirect_vreg.gather [hbm4b:s7+s3], $0x80, v3, vm0, $0xb8;
	[tilespmem:$0x1E380] =	vst v63  }
0xdf: {  	s16 =	simm.s32 $0x3380;
	s17 =	simm.s32 $0x1DB80;
	s18 =	simm.s32 $0x4380  }
0xe0: {  	[tilespmem:s17], [sflag:$0x2] =	stream.indirect_vreg.gather [hbm4b:s8+s3], $0x80, v3, vm0, $0xb8;
	[tilespmem:$0x1E380] =	vst v63  }
0xe1: {  	s19 =	simm.s32 $0xA380;
	s21 =	simm.s32 $0x380;
	s22 =	simm.s32 $0x5380  }
0xe2: {  	[hbm4b:s25+s3] =	stream.linear.scatter [tilespmem:s26], [sflag:$0x3], $0xF000, $0x38;
	[tilespmem:$0x1E380] =	vst v63  }
0xe3: {  	s24 =	simm.s32 $0x6380;
	s25 =	simm.s32 $0xAB80;
	s26 =	simm.s32 $0x7380  }
.LBB2_2:
0xe4: {  	_ =	swait.ge [sflag:s30], $0xF000  }
0xe5: {  	[sflag:s30] =	ssyncset.done $0x0  }
0xe6: {  	[sflag:s30] =	ssyncadd.s32 $0xFFFF1000  }
0xe7: {  	_ =	swait.ge [sflag:s31], $0xF000  }
0xe8: {  	[sflag:s31] =	ssyncset.done $0x0  }
0xe9: {  	[sflag:s31] =	ssyncadd.s32 $0xFFFF1000  }
0xea: {  	v3 =	vld [tilespmem:s6+$0xFFFFFF70];
	_ =	sdelay $0x4  }
0xeb: {  	v4 =	vshrl.u32 v3, $0x3  }
0xec: {  	v4 =	vmul.u32 $0x30, v4  }
0xed: {  	v3 =	vand.u32 $0x7, v3  }
0xee: {  	v3 =	vor.u32 v3, v4  }
0xef: {  	v4 =	vperm.xlane v3, v0;
	_ =	sdelay $0x1  }
0xf0: {  	v4 =	vadd.s32 v1, v4;
	_ =	sdelay $0x3  }
0xf1: {  	v3 =	vperm.xlane v3, v2  }
0xf2: {  	[tilespmem:s21], [sflag:$0x1] =	stream.indirect_vreg.gather [hbm4b:s1+s3], $0x80, v4, vm0, $0xb8;
	[tilespmem:$0x1E380] =	vst v63  }
0xf3: {  	v3 =	vadd.s32 v1, v3  }
0xf4: {  	[tilespmem:s11], [sflag:$0x1] =	stream.indirect_vreg.gather [hbm4b:s7+s3], $0x80, v4, vm0, $0xb8;
	[tilespmem:$0x1E380] =	vst v63  }
0xf5: {  	s12 =	simm.s32 $0x1380  }
0xf6: {  	[tilespmem:s12], [sflag:$0x1] =	stream.indirect_vreg.gather [hbm4b:s8+s3], $0x80, v4, vm0, $0xb8;
	[tilespmem:$0x1E380] =	vst v63  }
0xf7: {  	_ = 	snop  }
0xf8: {  	[tilespmem:s9], [sflag:$0x1] =	stream.indirect_vreg.gather [hbm4b:s1+s3], $0x80, v3, vm0, $0xb8;
	[tilespmem:$0x1E380] =	vst v63  }
0xf9: {  	_ = 	snop  }
0xfa: {  	[tilespmem:s13], [sflag:$0x1] =	stream.indirect_vreg.gather [hbm4b:s7+s3], $0x80, v3, vm0, $0xb8;
	[tilespmem:$0x1E380] =	vst v63  }
0xfb: {  	s12 =	simm.s32 $0x2B80  }
0xfc: {  	[tilespmem:s12], [sflag:$0x1] =	stream.indirect_vreg.gather [hbm4b:s8+s3], $0x80, v3, vm0, $0xb8;
	[tilespmem:$0x1E380] =	vst v63  }
0xfd: {  	v3 =	vld [tilespmem:s6+$0xFFFFFF80];
	_ =	sdelay $0x4  }
0xfe: {  	v55 =	vshrl.u32 v3, $0x3  }
0xff: {  	v4 =	vmul.u32 $0x30, v55  }
0x100: {  	v3 =	vand.u32 $0x7, v3  }
0x101: {  	v3 =	vor.u32 v3, v4  }
0x102: {  	v4 =	vperm.xlane v3, v0;
	_ =	sdelay $0x1  }
0x103: {  	v4 =	vadd.s32 v1, v4;
	_ =	sdelay $0x3  }
0x104: {  	v3 =	vperm.xlane v3, v2  }
0x105: {  	[tilespmem:s16], [sflag:$0x1] =	stream.indirect_vreg.gather [hbm4b:s1+s3], $0x80, v4, vm0, $0xb8;
	[tilespmem:$0x1E380] =	vst v63  }
0x106: {  	s12 =	simm.s32 $0x3B80;
	v3 =	vadd.s32 v1, v3  }
0x107: {  	[tilespmem:s12], [sflag:$0x1] =	stream.indirect_vreg.gather [hbm4b:s7+s3], $0x80, v4, vm0, $0xb8;
	[tilespmem:$0x1E380] =	vst v63  }
0x108: {  	_ = 	snop  }
0x109: {  	[tilespmem:s18], [sflag:$0x1] =	stream.indirect_vreg.gather [hbm4b:s8+s3], $0x80, v4, vm0, $0xb8;
	[tilespmem:$0x1E380] =	vst v63  }
0x10a: {  	s12 =	simm.s32 $0x4B80  }
0x10b: {  	[tilespmem:s12], [sflag:$0x1] =	stream.indirect_vreg.gather [hbm4b:s1+s3], $0x80, v3, vm0, $0xb8;
	[tilespmem:$0x1E380] =	vst v63  }
0x10c: {  	_ = 	snop  }
0x10d: {  	[tilespmem:s22], [sflag:$0x1] =	stream.indirect_vreg.gather [hbm4b:s7+s3], $0x80, v3, vm0, $0xb8;
	[tilespmem:$0x1E380] =	vst v63  }
0x10e: {  	s12 =	simm.s32 $0x5B80  }
0x10f: {  	[tilespmem:s12], [sflag:$0x1] =	stream.indirect_vreg.gather [hbm4b:s8+s3], $0x80, v3, vm0, $0xb8;
	[tilespmem:$0x1E380] =	vst v63  }
0x110: {  	v3 =	vld [tilespmem:s6+$0xFFFFFF90];
	_ =	sdelay $0x4  }
0x111: {  	v56 =	vshrl.u32 v3, $0x3  }
0x112: {  	v4 =	vmul.u32 $0x30, v56  }
0x113: {  	v3 =	vand.u32 $0x7, v3  }
0x114: {  	v3 =	vor.u32 v3, v4  }
0x115: {  	v4 =	vperm.xlane v3, v0;
	_ =	sdelay $0x1  }
0x116: {  	v4 =	vadd.s32 v1, v4;
	_ =	sdelay $0x3  }
0x117: {  	v3 =	vperm.xlane v3, v2  }
0x118: {  	[tilespmem:s24], [sflag:$0x1] =	stream.indirect_vreg.gather [hbm4b:s1+s3], $0x80, v4, vm0, $0xb8;
	[tilespmem:$0x1E380] =	vst v63  }
0x119: {  	s12 =	simm.s32 $0x6B80;
	v3 =	vadd.s32 v1, v3  }
0x11a: {  	[tilespmem:s12], [sflag:$0x1] =	stream.indirect_vreg.gather [hbm4b:s7+s3], $0x80, v4, vm0, $0xb8;
	[tilespmem:$0x1E380] =	vst v63  }
0x11b: {  	_ = 	snop  }
0x11c: {  	[tilespmem:s26], [sflag:$0x1] =	stream.indirect_vreg.gather [hbm4b:s8+s3], $0x80, v4, vm0, $0xb8;
	[tilespmem:$0x1E380] =	vst v63  }
0x11d: {  	s12 =	simm.s32 $0x7B80  }
0x11e: {  	[tilespmem:s12], [sflag:$0x1] =	stream.indirect_vreg.gather [hbm4b:s1+s3], $0x80, v3, vm0, $0xb8;
	[tilespmem:$0x1E380] =	vst v63  }
0x11f: {  	_ = 	snop  }
0x120: {  	[tilespmem:s29], [sflag:$0x1] =	stream.indirect_vreg.gather [hbm4b:s7+s3], $0x80, v3, vm0, $0xb8;
	[tilespmem:$0x1E380] =	vst v63  }
0x121: {  	s12 =	simm.s32 $0x8B80  }
0x122: {  	[tilespmem:s12], [sflag:$0x1] =	stream.indirect_vreg.gather [hbm4b:s8+s3], $0x80, v3, vm0, $0xb8;
	[tilespmem:$0x1E380] =	vst v63  }
0x123: {  	v3 =	vld [tilespmem:s6+$0xFFFFFFA0];
	_ =	sdelay $0x4  }
0x124: {  	v57 =	vshrl.u32 v3, $0x3  }
0x125: {  	v4 =	vmul.u32 $0x30, v57  }
0x126: {  	v3 =	vand.u32 $0x7, v3  }
0x127: {  	v3 =	vor.u32 v3, v4  }
0x128: {  	v4 =	vperm.xlane v3, v0;
	_ =	sdelay $0x1  }
0x129: {  	v4 =	vadd.s32 v1, v4;
	_ =	sdelay $0x3  }
0x12a: {  	v3 =	vperm.xlane v3, v2  }
0x12b: {  	[tilespmem:s4], [sflag:$0x1] =	stream.indirect_vreg.gather [hbm4b:s1+s3], $0x80, v4, vm0, $0xb8;
	[tilespmem:$0x1E380] =	vst v63  }
0x12c: {  	v3 =	vadd.s32 v1, v3  }
0x12d: {  	[tilespmem:s15], [sflag:$0x1] =	stream.indirect_vreg.gather [hbm4b:s7+s3], $0x80, v4, vm0, $0xb8;
	[tilespmem:$0x1E380] =	vst v63  }
0x12e: {  	_ = 	snop  }
0x12f: {  	[tilespmem:s19], [sflag:$0x1] =	stream.indirect_vreg.gather [hbm4b:s8+s3], $0x80, v4, vm0, $0xb8;
	[tilespmem:$0x1E380] =	vst v63  }
0x130: {  	_ = 	snop  }
0x131: {  	[tilespmem:s25], [sflag:$0x1] =	stream.indirect_vreg.gather [hbm4b:s1+s3], $0x80, v3, vm0, $0xb8;
	[tilespmem:$0x1E380] =	vst v63  }
0x132: {  	s12 =	simm.s32 $0xB380  }
0x133: {  	[tilespmem:s12], [sflag:$0x1] =	stream.indirect_vreg.gather [hbm4b:s7+s3], $0x80, v3, vm0, $0xb8;
	[tilespmem:$0x1E380] =	vst v63  }
0x134: {  	s12 =	simm.s32 $0xBB80  }
0x135: {  	[tilespmem:s12], [sflag:$0x1] =	stream.indirect_vreg.gather [hbm4b:s8+s3], $0x80, v3, vm0, $0xb8;
	[tilespmem:$0x1E380] =	vst v63  }
0x136: {  	v3 =	vld [tilespmem:s6+$0xFFFFFFB0];
	_ =	sdelay $0x4  }
0x137: {  	v58 =	vshrl.u32 v3, $0x3  }
0x138: {  	v4 =	vmul.u32 $0x30, v58  }
0x139: {  	v3 =	vand.u32 $0x7, v3  }
0x13a: {  	v3 =	vor.u32 v3, v4  }
0x13b: {  	v4 =	vperm.xlane v3, v0;
	_ =	sdelay $0x1  }
0x13c: {  	v4 =	vadd.s32 v1, v4;
	_ =	sdelay $0x3  }
0x13d: {  	s12 =	simm.s32 $0xC380;
	v3 =	vperm.xlane v3, v2  }
0x13e: {  	[tilespmem:s12], [sflag:$0x1] =	stream.indirect_vreg.gather [hbm4b:s1+s3], $0x80, v4, vm0, $0xb8;
	[tilespmem:$0x1E380] =	vst v63  }
0x13f: {  	v3 =	vadd.s32 v1, v3;
	s12 =	simm.s32 $0xCB80  }
0x140: {  	[tilespmem:s12], [sflag:$0x1] =	stream.indirect_vreg.gather [hbm4b:s7+s3], $0x80, v4, vm0, $0xb8;
	[tilespmem:$0x1E380] =	vst v63  }
0x141: {  	s12 =	simm.s32 $0xD380  }
0x142: {  	[tilespmem:s12], [sflag:$0x1] =	stream.indirect_vreg.gather [hbm4b:s8+s3], $0x80, v4, vm0, $0xb8;
	[tilespmem:$0x1E380] =	vst v63  }
0x143: {  	s12 =	simm.s32 $0xDB80  }
0x144: {  	[tilespmem:s12], [sflag:$0x1] =	stream.indirect_vreg.gather [hbm4b:s1+s3], $0x80, v3, vm0, $0xb8;
	[tilespmem:$0x1E380] =	vst v63  }
0x145: {  	s12 =	simm.s32 $0xE380  }
0x146: {  	[tilespmem:s12], [sflag:$0x1] =	stream.indirect_vreg.gather [hbm4b:s7+s3], $0x80, v3, vm0, $0xb8;
	[tilespmem:$0x1E380] =	vst v63  }
0x147: {  	s12 =	simm.s32 $0xEB80  }
0x148: {  	[tilespmem:s12], [sflag:$0x1] =	stream.indirect_vreg.gather [hbm4b:s8+s3], $0x80, v3, vm0, $0xb8;
	[tilespmem:$0x1E380] =	vst v63  }
0x149: {  	s11 =	simm.s32 $0xF380  }
0x14a: {  	[hbm4b:s10+s3] =	stream.linear.scatter [tilespmem:s11], [sflag:$0x4], $0xF000, $0x38;
	[tilespmem:$0x1E380] =	vst v63  }
0x14b: {  	_ =	swait.ge [sflag:s20], $0xF000  }
0x14c: {  	[sflag:s20] =	ssyncset.done $0x0  }
0x14d: {  	[sflag:s20] =	ssyncadd.s32 $0xFFFF1000  }
0x14e: {  	_ =	swait.ge [sflag:s0], $0xF000  }
0x14f: {  	[sflag:s0] =	ssyncset.done $0x0  }
0x150: {  	[sflag:s0] =	ssyncadd.s32 $0xFFFF1000  }
0x151: {  	v3 =	vld [tilespmem:s6+$0xFFFFFFC0];
	_ =	sdelay $0x4  }
0x152: {  	v59 =	vshrl.u32 v3, $0x3  }
0x153: {  	v4 =	vmul.u32 $0x30, v59  }
0x154: {  	v3 =	vand.u32 $0x7, v3  }
0x155: {  	v3 =	vor.u32 v3, v4  }
0x156: {  	v4 =	vperm.xlane v3, v0;
	_ =	sdelay $0x1  }
0x157: {  	v4 =	vadd.s32 v1, v4;
	_ =	sdelay $0x3  }
0x158: {  	v3 =	vperm.xlane v3, v2  }
0x159: {  	[tilespmem:s11], [sflag:$0x2] =	stream.indirect_vreg.gather [hbm4b:s1+s3], $0x80, v4, vm0, $0xb8;
	[tilespmem:$0x1E380] =	vst v63  }
0x15a: {  	v3 =	vadd.s32 v1, v3;
	s11 =	simm.s32 $0xFB80  }
0x15b: {  	[tilespmem:s11], [sflag:$0x2] =	stream.indirect_vreg.gather [hbm4b:s7+s3], $0x80, v4, vm0, $0xb8;
	[tilespmem:$0x1E380] =	vst v63  }
0x15c: {  	s11 =	simm.s32 $0x10380  }
0x15d: {  	[tilespmem:s11], [sflag:$0x2] =	stream.indirect_vreg.gather [hbm4b:s8+s3], $0x80, v4, vm0, $0xb8;
	[tilespmem:$0x1E380] =	vst v63  }
0x15e: {  	s11 =	simm.s32 $0x10B80  }
0x15f: {  	[tilespmem:s11], [sflag:$0x2] =	stream.indirect_vreg.gather [hbm4b:s1+s3], $0x80, v3, vm0, $0xb8;
	[tilespmem:$0x1E380] =	vst v63  }
0x160: {  	s11 =	simm.s32 $0x11380  }
0x161: {  	[tilespmem:s11], [sflag:$0x2] =	stream.indirect_vreg.gather [hbm4b:s7+s3], $0x80, v3, vm0, $0xb8;
	[tilespmem:$0x1E380] =	vst v63  }
0x162: {  	s11 =	simm.s32 $0x11B80  }
0x163: {  	[tilespmem:s11], [sflag:$0x2] =	stream.indirect_vreg.gather [hbm4b:s8+s3], $0x80, v3, vm0, $0xb8;
	[tilespmem:$0x1E380] =	vst v63  }
0x164: {  	v3 =	vld [tilespmem:s6+$0xFFFFFFD0];
	_ =	sdelay $0x4  }
0x165: {  	v60 =	vshrl.u32 v3, $0x3  }
0x166: {  	v4 =	vmul.u32 $0x30, v60  }
0x167: {  	v3 =	vand.u32 $0x7, v3  }
0x168: {  	v3 =	vor.u32 v3, v4  }
0x169: {  	v4 =	vperm.xlane v3, v0;
	_ =	sdelay $0x1  }
0x16a: {  	v4 =	vadd.s32 v1, v4;
	_ =	sdelay $0x3  }
0x16b: {  	s11 =	simm.s32 $0x12380;
	v3 =	vperm.xlane v3, v2  }
0x16c: {  	[tilespmem:s11], [sflag:$0x2] =	stream.indirect_vreg.gather [hbm4b:s1+s3], $0x80, v4, vm0, $0xb8;
	[tilespmem:$0x1E380] =	vst v63  }
0x16d: {  	v3 =	vadd.s32 v1, v3;
	s11 =	simm.s32 $0x12B80  }
0x16e: {  	[tilespmem:s11], [sflag:$0x2] =	stream.indirect_vreg.gather [hbm4b:s7+s3], $0x80, v4, vm0, $0xb8;
	[tilespmem:$0x1E380] =	vst v63  }
0x16f: {  	s11 =	simm.s32 $0x13380  }
0x170: {  	[tilespmem:s11], [sflag:$0x2] =	stream.indirect_vreg.gather [hbm4b:s8+s3], $0x80, v4, vm0, $0xb8;
	[tilespmem:$0x1E380] =	vst v63  }
0x171: {  	s11 =	simm.s32 $0x13B80  }
0x172: {  	[tilespmem:s11], [sflag:$0x2] =	stream.indirect_vreg.gather [hbm4b:s1+s3], $0x80, v3, vm0, $0xb8;
	[tilespmem:$0x1E380] =	vst v63  }
0x173: {  	s11 =	simm.s32 $0x14380  }
0x174: {  	[tilespmem:s11], [sflag:$0x2] =	stream.indirect_vreg.gather [hbm4b:s7+s3], $0x80, v3, vm0, $0xb8;
	[tilespmem:$0x1E380] =	vst v63  }
0x175: {  	s11 =	simm.s32 $0x14B80  }
0x176: {  	[tilespmem:s11], [sflag:$0x2] =	stream.indirect_vreg.gather [hbm4b:s8+s3], $0x80, v3, vm0, $0xb8;
	[tilespmem:$0x1E380] =	vst v63  }
0x177: {  	v3 =	vld [tilespmem:s6+$0xFFFFFFE0];
	_ =	sdelay $0x4  }
0x178: {  	v61 =	vshrl.u32 v3, $0x3  }
0x179: {  	v4 =	vmul.u32 $0x30, v61  }
0x17a: {  	v3 =	vand.u32 $0x7, v3  }
0x17b: {  	v3 =	vor.u32 v3, v4  }
0x17c: {  	v4 =	vperm.xlane v3, v0;
	_ =	sdelay $0x1  }
0x17d: {  	v4 =	vadd.s32 v1, v4;
	_ =	sdelay $0x3  }
0x17e: {  	s11 =	simm.s32 $0x15380;
	v3 =	vperm.xlane v3, v2  }
0x17f: {  	[tilespmem:s11], [sflag:$0x2] =	stream.indirect_vreg.gather [hbm4b:s1+s3], $0x80, v4, vm0, $0xb8;
	[tilespmem:$0x1E380] =	vst v63  }
0x180: {  	v3 =	vadd.s32 v1, v3;
	s11 =	simm.s32 $0x15B80  }
0x181: {  	[tilespmem:s11], [sflag:$0x2] =	stream.indirect_vreg.gather [hbm4b:s7+s3], $0x80, v4, vm0, $0xb8;
	[tilespmem:$0x1E380] =	vst v63  }
0x182: {  	s11 =	simm.s32 $0x16380  }
0x183: {  	[tilespmem:s11], [sflag:$0x2] =	stream.indirect_vreg.gather [hbm4b:s8+s3], $0x80, v4, vm0, $0xb8;
	[tilespmem:$0x1E380] =	vst v63  }
0x184: {  	s11 =	simm.s32 $0x16B80  }
0x185: {  	[tilespmem:s11], [sflag:$0x2] =	stream.indirect_vreg.gather [hbm4b:s1+s3], $0x80, v3, vm0, $0xb8;
	[tilespmem:$0x1E380] =	vst v63  }
0x186: {  	s11 =	simm.s32 $0x17380  }
0x187: {  	[tilespmem:s11], [sflag:$0x2] =	stream.indirect_vreg.gather [hbm4b:s7+s3], $0x80, v3, vm0, $0xb8;
	[tilespmem:$0x1E380] =	vst v63  }
0x188: {  	s11 =	simm.s32 $0x17B80  }
0x189: {  	[tilespmem:s11], [sflag:$0x2] =	stream.indirect_vreg.gather [hbm4b:s8+s3], $0x80, v3, vm0, $0xb8;
	[tilespmem:$0x1E380] =	vst v63  }
0x18a: {  	v3 =	vld [tilespmem:s6+$0xFFFFFFF0];
	_ =	sdelay $0x4  }
0x18b: {  	v62 =	vshrl.u32 v3, $0x3  }
0x18c: {  	v4 =	vmul.u32 $0x30, v62  }
0x18d: {  	v3 =	vand.u32 $0x7, v3  }
0x18e: {  	v3 =	vor.u32 v3, v4  }
0x18f: {  	v4 =	vperm.xlane v3, v0;
	_ =	sdelay $0x1  }
0x190: {  	v4 =	vadd.s32 v1, v4;
	_ =	sdelay $0x3  }
0x191: {  	s11 =	simm.s32 $0x18380;
	v3 =	vperm.xlane v3, v2  }
0x192: {  	[tilespmem:s11], [sflag:$0x2] =	stream.indirect_vreg.gather [hbm4b:s1+s3], $0x80, v4, vm0, $0xb8;
	[tilespmem:$0x1E380] =	vst v63  }
0x193: {  	v3 =	vadd.s32 v1, v3;
	s11 =	simm.s32 $0x18B80  }
0x194: {  	[tilespmem:s11], [sflag:$0x2] =	stream.indirect_vreg.gather [hbm4b:s7+s3], $0x80, v4, vm0, $0xb8;
	[tilespmem:$0x1E380] =	vst v63  }
0x195: {  	s11 =	simm.s32 $0x19380  }
0x196: {  	[tilespmem:s11], [sflag:$0x2] =	stream.indirect_vreg.gather [hbm4b:s8+s3], $0x80, v4, vm0, $0xb8;
	[tilespmem:$0x1E380] =	vst v63  }
0x197: {  	s11 =	simm.s32 $0x19B80  }
0x198: {  	[tilespmem:s11], [sflag:$0x2] =	stream.indirect_vreg.gather [hbm4b:s1+s3], $0x80, v3, vm0, $0xb8;
	[tilespmem:$0x1E380] =	vst v63  }
0x199: {  	s11 =	simm.s32 $0x1A380  }
0x19a: {  	[tilespmem:s11], [sflag:$0x2] =	stream.indirect_vreg.gather [hbm4b:s7+s3], $0x80, v3, vm0, $0xb8;
	[tilespmem:$0x1E380] =	vst v63  }
0x19b: {  	s11 =	simm.s32 $0x1AB80  }
0x19c: {  	[tilespmem:s11], [sflag:$0x2] =	stream.indirect_vreg.gather [hbm4b:s8+s3], $0x80, v3, vm0, $0xb8;
	[tilespmem:$0x1E380] =	vst v63  }
0x19d: {  	v3 =	vld [tilespmem:s6+$0x0];
	_ =	sdelay $0x4  }
0x19e: {  	v63 =	vshrl.u32 v3, $0x3  }
0x19f: {  	v4 =	vmul.u32 $0x30, v63  }
0x1a0: {  	v3 =	vand.u32 $0x7, v3  }
0x1a1: {  	v3 =	vor.u32 v3, v4  }
0x1a2: {  	v4 =	vperm.xlane v3, v0;
	_ =	sdelay $0x1  }
0x1a3: {  	v4 =	vadd.s32 v1, v4;
	_ =	sdelay $0x3  }
0x1a4: {  	s11 =	simm.s32 $0x1B380  }
0x1a5: {  	v3 =	vperm.xlane v3, v2;
	[tilespmem:s11], [sflag:$0x2] =	stream.indirect_vreg.gather [hbm4b:s1+s3], $0x80, v4, vm0, $0xb8;
	[tilespmem:$0x1E380] =	vst v63  }
0x1a6: {  	s11 =	simm.s32 $0x1BB80  }
0x1a7: {  	v3 =	vadd.s32 v1, v3;
	[tilespmem:s11], [sflag:$0x2] =	stream.indirect_vreg.gather [hbm4b:s7+s3], $0x80, v4, vm0, $0xb8;
	[tilespmem:$0x1E380] =	vst v63  }
0x1a8: {  	s11 =	simm.s32 $0x1C380  }
0x1a9: {  	[tilespmem:s11], [sflag:$0x2] =	stream.indirect_vreg.gather [hbm4b:s8+s3], $0x80, v4, vm0, $0xb8;
	[tilespmem:$0x1E380] =	vst v63  }
0x1aa: {  	s11 =	sadd.s32 s2, s14  }
0x1ab: {  	s11 =	sshrl.u32 s11, $0x3  }
0x1ac: {  	[tilespmem:s23], [sflag:$0x2] =	stream.indirect_vreg.gather [hbm4b:s1+s3], $0x80, v3, vm0, $0xb8;
	[tilespmem:$0x1E380] =	vst v63  }
0x1ad: {  	p0 =	sne.s32 s2, $0x280;
	s11 =	smul.u32 $0x300, s11  }
0x1ae: {  	[tilespmem:s28], [sflag:$0x2] =	stream.indirect_vreg.gather [hbm4b:s7+s3], $0x80, v3, vm0, $0xb8;
	[tilespmem:$0x1E380] =	vst v63  }
.Ltmp0:
0x1af: {  	_ = 	snop;
	(pc) =	sbr.rel @p0 .LBB2_2-.Ltmp0, $4  }
0x1b0: {  	[tilespmem:s17], [sflag:$0x2] =	stream.indirect_vreg.gather [hbm4b:s8+s3], $0x80, v3, vm0, $0xb8;
	[tilespmem:$0x1E380] =	vst v63  }
0x1b1: {  	s12 =	simm.s32 $0xF380;
	s10 =	sadd.s32 $0x3C00, s10;
	s11 =	sadd.s32 s5, s11  }
0x1b2: {  	[hbm4b:s11+s3] =	stream.linear.scatter [tilespmem:s21], [sflag:$0x3], $0xF000, $0x38;
	[tilespmem:$0x1E380] =	vst v63  }
0x1b3: {  	s6 =	sadd.s32 $0xA0, s6;
	s2 =	sadd.s32 $0xA0, s2;
	s11 =	simm.s32 $0xB80  }
0x1b4: {  	_ =	swait.ge [sflag:s30], $0xF000  }
0x1b5: {  	[sflag:s30] =	ssyncset.done $0x0  }
0x1b6: {  	[sflag:s30] =	ssyncadd.s32 $0xFFFF1000  }
0x1b7: {  	_ =	swait.ge [sflag:s31], $0xF000  }
0x1b8: {  	s6 =	simm.s32 $0x1380;
	[sflag:s31] =	ssyncset.done $0x0  }
0x1b9: {  	s9 =	simm.s32 $0x1B80;
	s2 =	rddreg [dreg:$0x6];
	[sflag:s31] =	ssyncadd.s32 $0xFFFF1000  }
0x1ba: {  	[hbm4b:s2+s3] =	stream.linear.scatter [tilespmem:s12], [sflag:$0x4], $0xF000, $0x38;
	[tilespmem:$0x1E380] =	vst v63  }
0x1bb: {  	s10 =	simm.s32 $0x2380;
	s5 =	simm.s32 $0x2B80;
	_ =	swait.ge [sflag:s0], $0xF000  }
0x1bc: {  	s13 =	simm.s32 $0x3380;
	s15 =	simm.s32 $0x3B80;
	s4 =	rddreg [dreg:$0xb]  }
0x1bd: {  	s16 =	simm.s32 $0x4380;
	s26 =	rddreg [dreg:$0x7];
	s4 =	sadd.s32 $0x1, s4  }
0x1be: {  	s17 =	simm.s32 $0x4B80;
	s18 =	simm.s32 $0x5380;
	p0 =	sne.s32 s4, s26  }
.Ltmp1:
0x1bf: {  	s19 =	simm.s32 $0x5B80;
	s22 =	simm.s32 $0x6380;
	(pc) =	sbr.rel @p0 .LBB2_1-.Ltmp1, $4  }
0x1c0: {  	s23 =	simm.s32 $0x6B80;
	s24 =	simm.s32 $0x7380;
	s25 =	simm.s32 $0x7B80  }
0x1c1: {  	s14 =	simm.s32 $0x9380;
	s21 =	simm.s32 $0x9B80;
	[sflag:s0] =	ssyncset.done $0x0  }
0x1c2: {  	s28 =	simm.s32 $0xA380;
	s29 =	simm.s32 $0xAB80;
	[sflag:s0] =	ssyncadd.s32 $0xFFFF1000  }
0x1c3: {  	[dreg:$0xb] =	wrdreg s4;
	s26 =	simm.s32 $0x8380;
	s4 =	simm.s32 $0x8B80  }
0x1c4: {  	_ =	sfence.sel $0x180000  }
0x1c5: {  	[bflag:$0x0] =	sbarrier.arrive $0xFFFF  }
0x1c6: {  	_ =	strace $0x90000047  }
0x1c7: {  	s0 =	stileid.u32;
	[bflag:$0x2] =	sbarrier.arrive $0xFFFF  }
0x1c8: {  	p0 =	sne.s32 s0, $0x0;
	s0 =	rddreg [dreg:$0x3]  }
0x1c9: {  	s0 =	sadd.s32 @!p0 $0x100000, s0  }
0x1ca: {  	[sflag:s0] =	ssyncadd.tile.s32 @!p0 $0x1;
	_ =	shalt  }
.Lfunc_end2:
_tile_overlayer_lowered:
.L_overlay_start_2:
0x1cb: {  	(tag) =	ssettag $0x2  }
0x1cc: {  	s0 =	rddreg [dreg:$0x0];
	s2 =	stileid.u32  }
0x1cd: {  	s1 =	rddreg [dreg:$0x1];
	p0 =	sne.s32 s2, $0x0  }
0x1ce: {  	s3 =	rddreg [dreg:$0x2];
	[bflag:$0x3] =	sbarrier.arrive $0xFFFF;
	s2 =	simm.s32 @!p0 $0x1C05  }
0x1cf: {  	[timem:s3], [sflag:s2] =	dma.local @!p0 [hbm:s0], s1  }
0x1d0: {  	s0 =	simm.s32 @!p0 $0x5  }
0x1d1: {  	_ =	swait.ge @!p0 [sflag:s0], s1  }
0x1d2: {  	s1 =	ssub.s32 @!p0 $0x0, s1;
	[sflag:s0] =	ssyncset.done @!p0 $0x0  }
0x1d3: {  	[sflag:s0] =	ssyncadd.s32 @!p0 s1  }
0x1d4: {  	[bflag:$0x3] =	sbarrier.arrive $0xFFFF  }
0x1d5: {  	_ =	shalt  }

// kernel: kernel.9.cloned.1.call-start
scs
__scs_entry_jumppad:
0x0: {  	(pc) =	sbr.rel $0x88, $3  }
0x1: {  	(tag) =	ssettag $0x0;
	lr =	simm.s32 $0x1  }
0x2: {  	[smem:$0x3F85] =	sst lr;
	_ =	strace $0xD0000000  }
0x3: {  	_ = 	snop  }
0x4: {  	_ = 	snop  }
0x5: {  	_ = 	snop  }
0x6: {  	_ = 	snop  }
0x7: {  	_ = 	snop  }
__scs_overlays_trampoline_lowered:
0x8: {  	[smem:$0x3F94] =	sst s0  }
0x9: {  	[smem:$0x3F95] =	sst s1  }
0xa: {  	[smem:$0x3F96] =	sst s2  }
0xb: {  	[smem:$0x3F97] =	sst s3  }
0xc: {  	[smem:$0x3F98] =	sst s4  }
0xd: {  	[smem:$0x3F99] =	sst s5  }
0xe: {  	[smem:$0x3F9A] =	sst s6  }
0xf: {  	[smem:$0x3F9B] =	sst s7  }
0x10: {  	[smem:$0x3F9C] =	sst s8  }
0x11: {  	[smem:$0x3F9D] =	sst s9;
	s0 =	simm.s32 @!p0 $0x0  }
0x12: {  	s1 =	sld [smem:$0x3F83];
	s0 =	simm.s32 @p0 $0x1  }
0x13: {  	[smem:$0x3F9E] =	sst s0;
	s0 =	simm.s32 @!p1 $0x0  }
0x14: {  	s2 =	sld [smem:$0x3F82];
	s0 =	simm.s32 @p1 $0x1  }
0x15: {  	[smem:$0x3F9F] =	sst s0;
	s0 =	simm.s32 @!p2 $0x0  }
0x16: {  	s3 =	sld [smem:$0x3FDB];
	s0 =	simm.s32 @p2 $0x1  }
0x17: {  	s4 =	simm.s32 $0x1BF5;
	[smem:$0x3FA1] =	sst s0  }
0x18: {  	s0 =	sld [smem:$0x3F84];
	_ =	swait.ge [sflag:s4], $0x0  }
0x19: {  	s7 =	sld [smem:$0x3F85]  }
0x1a: {  	s8 =	sadd.s32 $0xFFFFE003, lr  }
0x1b: {  	s9 =	sadd.s32 $0xFFFFFEF7, lr;
	s5 =	simm.s32 $0xFFFFFFFF;
	p2 =	slt.u32 s8, $0xFFFFF086  }
0x1c: {  	p1 =	slt.u32 s9, $0xF7A;
	s5 =	simm.s32 @!p2 $0x0  }
0x1d: {  	s5 =	simm.s32 @p1 $0x1;
	p0 =	seq.s32 s7, s2  }
0x1e: {  	s7 =	smul.u32 @!p0 $0xF7A, s2;
	p2 =	seq.s32 @!p0 s5, $0x0  }
0x1f: {  	s9 =	smul.u32 $0xF7A, s1;
	s8 =	simm.s32 @!p0 $0x1BF5;
	p2 =	por !p2, p0  }
0x20: {  	[sflag:s8] =	ssyncset.s32 @!p0 $0xFFFFF086;
	s6 =	sadd.s32 @!p0 s3, s7;
	s7 =	simm.s32 @!p0 $0x108  }
0x21: {  	s3 =	sadd.s32 s3, s9;
	s6 =	sadd.s32 @!p0 $0x88, s6;
	s7 =	simm.s32 @p2 $0x1082  }
0x22: {  	[simem:s7], [sflag:s8] =	dma.local @!p0 [hbm:s6], $0xF7A  }
0x23: {  	s9 =	sor.u32 $0xD0000000, s2;
	s6 =	simm.s32 $0x108;
	_ =	swait.ge @!p0 [sflag:s8], $0x0  }
0x24: {  	s3 =	sadd.s32 $0x88, s3;
	s6 =	simm.s32 @!p1 $0x1082;
	[sflag:s4] =	ssyncset.s32 $0xFFFFF086  }
0x25: {  	[simem:s6], [sflag:s4] =	dma.local [hbm:s3], $0xF7A  }
0x26: {  	[smem:$0x3F85] =	sst s1;
	(tag) =	ssettag s2;
	_ =	strace s9  }
0x27: {  	s1 =	sld [smem:$0x3F95]  }
0x28: {  	s2 =	sld [smem:$0x3F96]  }
0x29: {  	s4 =	sld [smem:$0x3F98]  }
0x2a: {  	p0 =	seq.s32 s5, $0x0;
	s5 =	sld [smem:$0x3F99]  }
0x2b: {  	s6 =	sld [smem:$0x3F9A]  }
0x2c: {  	s7 =	sld [smem:$0x3F9B]  }
0x2d: {  	s3 =	simm.s32 $0x108;
	s8 =	sld [smem:$0x3F9C]  }
0x2e: {  	s3 =	simm.s32 @!p0 $0x1082;
	s9 =	sld [smem:$0x3F9D]  }
0x2f: {  	lr =	sadd.s32 s0, s3;
	s0 =	sld [smem:$0x3F94]  }
0x30: {  	s3 =	sld [smem:$0x3F97]  }
0x31: {  	[smem:$0x3FA0] =	sst s10  }
0x32: {  	s10 =	sld [smem:$0x3F9E];
	_ =	sdelay $0x3  }
0x33: {  	p0 =	seq.s32 s10, $0x1;
	s10 =	sld [smem:$0x3FA0];
	_ =	sdelay $0x3  }
0x34: {  	[smem:$0x3FA0] =	sst s10  }
0x35: {  	s10 =	sld [smem:$0x3F9F];
	_ =	sdelay $0x3  }
0x36: {  	p1 =	seq.s32 s10, $0x1;
	s10 =	sld [smem:$0x3FA0];
	_ =	sdelay $0x3  }
0x37: {  	[smem:$0x3FA0] =	sst s10  }
0x38: {  	s10 =	sld [smem:$0x3FA1]  }
0x39: {  	_ = 	snop;
	(pc) =	sbr.ind lr, $3  }
0x3a: {  	_ = 	snop  }
0x3b: {  	_ = 	snop  }
0x3c: {  	p2 =	seq.s32 s10, $0x1;
	s10 =	sld [smem:$0x3FA0]  }
0x3d: {  	_ =	shalt  }
0x3e: {  	_ =	shalt  }
0x3f: {  	_ =	shalt  }
0x40: {  	_ =	shalt  }
0x41: {  	_ =	shalt  }
0x42: {  	_ =	shalt  }
0x43: {  	_ =	shalt  }
0x44: {  	_ =	shalt  }
0x45: {  	_ =	shalt  }
0x46: {  	_ =	shalt  }
0x47: {  	_ =	shalt  }
0x48: {  	_ =	shalt  }
0x49: {  	_ =	shalt  }
0x4a: {  	_ =	shalt  }
0x4b: {  	_ =	shalt  }
0x4c: {  	_ =	shalt  }
0x4d: {  	_ =	shalt  }
0x4e: {  	_ =	shalt  }
0x4f: {  	_ =	shalt  }
0x50: {  	_ =	shalt  }
0x51: {  	_ =	shalt  }
0x52: {  	_ =	shalt  }
0x53: {  	_ =	shalt  }
0x54: {  	_ =	shalt  }
0x55: {  	_ =	shalt  }
0x56: {  	_ =	shalt  }
0x57: {  	_ =	shalt  }
0x58: {  	_ =	shalt  }
0x59: {  	_ =	shalt  }
0x5a: {  	_ =	shalt  }
0x5b: {  	_ =	shalt  }
0x5c: {  	_ =	shalt  }
0x5d: {  	_ =	shalt  }
0x5e: {  	_ =	shalt  }
0x5f: {  	_ =	shalt  }
0x60: {  	_ =	shalt  }
0x61: {  	_ =	shalt  }
0x62: {  	_ =	shalt  }
0x63: {  	_ =	shalt  }
0x64: {  	_ =	shalt  }
0x65: {  	_ =	shalt  }
0x66: {  	_ =	shalt  }
0x67: {  	_ =	shalt  }
0x68: {  	_ =	shalt  }
0x69: {  	_ =	shalt  }
0x6a: {  	_ =	shalt  }
0x6b: {  	_ =	shalt  }
0x6c: {  	_ =	shalt  }
0x6d: {  	_ =	shalt  }
0x6e: {  	_ =	shalt  }
0x6f: {  	_ =	shalt  }
0x70: {  	_ =	shalt  }
0x71: {  	_ =	shalt  }
0x72: {  	_ =	shalt  }
0x73: {  	_ =	shalt  }
0x74: {  	_ =	shalt  }
0x75: {  	_ =	shalt  }
0x76: {  	_ =	shalt  }
0x77: {  	_ =	shalt  }
0x78: {  	_ =	shalt  }
0x79: {  	_ =	shalt  }
0x7a: {  	_ =	shalt  }
0x7b: {  	_ =	shalt  }
0x7c: {  	_ =	shalt  }
0x7d: {  	_ =	shalt  }
0x7e: {  	_ =	shalt  }
0x7f: {  	_ =	shalt  }
0x80: {  	_ =	shalt  }
0x81: {  	_ =	shalt  }
0x82: {  	_ =	shalt  }
0x83: {  	_ =	shalt  }
0x84: {  	_ =	shalt  }
0x85: {  	_ =	shalt  }
0x86: {  	_ =	shalt  }
0x87: {  	_ =	shalt  }
.Lfunc_end0:
.L_simem_size_0:
called_computation.1_lowered:
.L_overlay_start_0:
0x88: {  	s2 =	sld [smem:$0x3FD9]  }
0x89: {  	s3 =	sld [smem:$0x3FFE];
	_ =	sdelay $0x1  }
0x8a: {  	s1 =	srdreg.scid  }
0x8b: {  	s0 =	sand.u32 $0x1, s1  }
0x8c: {  	s17 =	sshll.u32 s0, $0xA;
	s2 =	sadd.s32 s3, s2  }
0x8d: {  	s2 =	sadd.s32 s2, s17  }
0x8e: {  	[smem:$0x3FAC] =	sst s2  }
0x8f: {  	_ = 	snop  }
0x90: {  	s2 =	sld [smem:$0x3FD0];
	(tm) =	ssettm $0x1  }
0x91: {  	s18 =	sld [smem:$0x3FFB];
	_ =	sdelay $0x3  }
0x92: {  	_ =	strace s18  }
0x93: {  	s3 =	sld [smem:$0x3FFC];
	_ =	sdelay $0x3  }
0x94: {  	_ =	strace s3  }
0x95: {  	s3 =	sld [smem:$0x3FFD];
	_ =	sdelay $0x3  }
0x96: {  	_ =	strace s3  }
0x97: {  	_ =	strace $0x8FFFFFFF  }
0x98: {  	s19 =	sld [smem:$0x3FDB];
	_ =	sdelay $0x1  }
0x99: {  	s4 =	simm.s32 $_scs_section_size  }
0x9a: {  	s5 =	simm.s32 $_size__tile_overlayer_lowered;
	s6 =	simm.s32 $_tile_overlayer_lowered  }
0x9b: {  	s22 =	simm.s32 $0x1BFF;
	s21 =	sshll.u32 s6, $0x1;
	s3 =	sadd.s32 s4, s19  }
0x9c: {  	s7 =	simm.s32 $0x0;
	s20 =	sshll.u32 s5, $0x1;
	s5 =	sadd.s32 s21, s3  }
0x9d: {  	[timem:s7], [sflag:s22] =	dma.local [hbm:s5], s20  }
0x9e: {  	_ =	swait.ge [sflag:s22], s20  }
0x9f: {  	s4 =	ssub.s32 $0x0, s20;
	[sflag:s22] =	ssyncset.done $0x0  }
0xa0: {  	[sflag:s22] =	ssyncadd.s32 s4;
	_ =	sdelay $0x1  }
0xa1: {  	s23 =	simm.s32 $0x1B8B  }
0xa2: {  	_ =	swait.ge [sflag:s23], $0x1  }
0xa3: {  	[sflag:s23] =	ssyncset.done $0x0  }
0xa4: {  	s25 =	simm.s32 $0x1B8E;
	s24 =	sld [smem:$0x3FFE];
	[sflag:s23] =	ssyncadd.s32 $0xFFFFFFFF  }
0xa5: {  	s26 =	simm.s32 $execute0_lowered;
	[smem:$0x3FD2] =	sst s25  }
0xa6: {  	s5 =	sshll.u32 s26, $0x1;
	_ =	strace $0x80000049;
	[dreg:$0x1] =	wrdreg $0xFFFFFFFF  }
0xa7: {  	s28 =	simm.s32 $_size_execute0_lowered;
	s3 =	sadd.s32 s3, s5;
	[dreg:$0x0] =	wrdreg $0x0  }
0xa8: {  	s5 =	sshll.u32 s28, $0x1;
	[dreg:$0x2] =	wrdreg s3  }
0xa9: {  	[dreg:$0x3] =	wrdreg s5  }
0xaa: {  	[dreg:$0x4] =	wrdreg $0xC0  }
0xab: {  	_ =	task [dreg:s7], $0x5FFFF  }
0xac: {  	[dreg:$0x1] =	wrdreg $0xFFFFFFFF  }
0xad: {  	[dreg:$0x0] =	wrdreg $0x60  }
0xae: {  	[dreg:$0x2] =	wrdreg s24  }
0xaf: {  	[dreg:$0x3] =	wrdreg s2  }
0xb0: {  	[dreg:$0x4] =	wrdreg $0x9  }
0xb1: {  	_ =	task.clear_ibuf [dreg:s7], $0x5FFFF;
	_ =	strace $0x90000049  }
0xb2: {  	s29 =	simm.s32 $0x9;
	_ =	strace $0x8000004B  }
0xb3: {  	_ =	swait.ge [sflag:s29], $0x1  }
0xb4: {  	[sflag:s29] =	ssyncadd.s32 $0xFFFFFFFF  }
0xb5: {  	_ =	strace $0x9000004B  }
0xb6: {  	_ =	sfence  }
0xb7: {  	s30 =	sld [smem:$0x0];
	_ =	sdelay $0x2  }
0xb8: {  	s31 =	sshll.u32 s1, $0xD;
	s1 =	sshrl.u32 s1, $0x2  }
0xb9: {  	s3 =	sand.u32 $0x4000, s31;
	s1 =	sadd.s32 s1, s30  }
0xba: {  	s0 =	sor.u32 s3, s0;
	s1 =	sshll.u32 s1, $0x11  }
0xbb: {  	s0 =	sor.u32 s1, s0  }
0xbc: {  	s0 =	sadd.s32 $0x8F2B, s0  }
0xbd: {  	[sflag:s0] =	ssyncadd.remote.s32 $0x1  }
0xbe: {  	_ =	sfence.sel $0xFFFF  }
0xbf: {  	[dreg:$0x0] =	wrdreg $0xFFFFFFFF;
	(pc) =	sbr.abs _section_cstart, $3  }
0xc0: {  	[dreg:$0x1] =	wrdreg $0xFFFFFFFF  }
0xc1: {  	_ =	task.clear_ibuf [dreg:s7], $0x2FFFF;
	_ =	strace $0x9FFFFFFF  }
0xc2: {  	(tm) =	ssettm $0x7FFFFFFF  }
0xc3: {  	_ =	shalt  }
tec
execute0_lowered:
.L_overlay_start_1:
0x0: {  	(tag) =	ssettag $0x1  }
0x1: {  	s0 =	rddreg [dreg:$0x0];
	s1 =	srdreg.scid  }
0x2: {  	s13 =	stileid.u32;
	s5 =	rddreg [dreg:$0x1]  }
0x3: {  	s2 =	simm.s32 $0x0;
	s14 =	simm.s32 $0x9;
	s15 =	simm.s32 $0x380  }
0x4: {  	s16 =	simm.s32 $0x50;
	s17 =	simm.s32 $0x700;
	s18 =	simm.s32 $0x5700  }
0x5: {  	s19 =	simm.s32 $0x1;
	s20 =	simm.s32 $0x2F00;
	s21 =	simm.s32 $0x3  }
0x6: {  	s28 =	simm.s32 $0x7;
	s29 =	simm.s32 $0x6;
	s30 =	simm.s32 $0x8  }
0x7: {  	s1 =	sand.u32 $0x1, s1;
	s3 =	sshll.u32 s13, $0x1;
	s13 =	smul.u32 $0x6400, s13  }
0x8: {  	s6 =	sor.u32 s1, s3;
	s8 =	ssub.s32 $0x2, s1;
	s1 =	smul.u32 $0x3200, s1  }
0x9: {  	[smem:$0x7FF] =	sst s2;
	s4 =	sadd.s32 $0x25EE00, s0;
	s7 =	smul.u32 $0x320, s6  }
0xa: {  	s31 =	simm.s32 $0x0;
	_ =	strace $0x8000004A;
	s9 =	smul.u32 $0x3200, s6  }
0xb: {  	s3 =	sadd.s32 $0x26EE00, s0;
	s10 =	sshrl.u32 s8, $0x1;
	s11 =	smul.u32 $0x19000, s6  }
0xc: {  	s12 =	ssub.s32 s8, s10;
	s7 =	sshrl.u32 s7, $0x3;
	s25 =	sadd.s32 s5, s9  }
0xd: {  	s26 =	sshrl.u32 s11, $0x3;
	s11 =	smax.u32 s12, $0x1;
	s7 =	sadd.s32 s7, s0  }
0xe: {  	s0 =	sadd.s32 $0x272E00, s0;
	[dreg:$0x5] =	wrdreg s25;
	s10 =	sadd.s32 $0x2D00, s26  }
0xf: {  	s25 =	simm.s32 $0x5;
	s26 =	simm.s32 $0x4;
	s23 =	sadd.s32 $0x25D200, s7  }
0x10: {  	s24 =	sadd.s32 $0x25E000, s7;
	s8 =	sadd.s32 s0, s9;
	s9 =	sadd.s32 s5, s10  }
0x11: {  	s10 =	sadd.s32 s0, s10;
	s5 =	sadd.s32 s13, s5;
	[dreg:$0x3] =	wrdreg s23  }
0x12: {  	s0 =	sadd.s32 s13, s0;
	[dreg:$0x4] =	wrdreg s24;
	s12 =	sadd.s32 s1, s5  }
0x13: {  	s13 =	sadd.s32 s1, s0;
	s23 =	simm.s32 $0x7F00;
	s24 =	simm.s32 $0x2  }
.LBB2_1:
0x14: {  	s0 =	rddreg [dreg:$0x3]  }
0x15: {  	[tilespmem:s2], [sflag:$0x9] =	stream.linear.gather [hbm4b:s0+s2], $0x320, $0x38;
	[tilespmem:$0xA700] =	vst v63  }
0x16: {  	_ =	swait.ge [sflag:s14], $0x320  }
0x17: {  	[sflag:s14] =	ssyncset.done $0x0  }
0x18: {  	s7 =	rddreg [dreg:$0x4];
	[sflag:s14] =	ssyncadd.s32 $0xFFFFFCE0  }
0x19: {  	[tilespmem:s15], [sflag:$0x9] =	stream.linear.gather [hbm4b:s7+s2], $0x320, $0x38;
	[tilespmem:$0xA700] =	vst v63  }
0x1a: {  	_ =	swait.ge [sflag:s14], $0x320  }
0x1b: {  	[sflag:s14] =	ssyncset.done $0x0  }
0x1c: {  	[sflag:s14] =	ssyncadd.s32 $0xFFFFFCE0  }
0x1d: {  	[tilespmem:s17], [sflag:$0x1] =	stream.indirect.gather [hbm4b:s3+s16], $0x80, s2, s16, $0xb8;
	[tilespmem:$0xA700] =	vst v63  }
0x1e: {  	_ = 	snop  }
0x1f: {  	[tilespmem:s18], [sflag:$0x3] =	stream.indirect.gather [hbm4b:s4+s16], $0x80, s15, s16, $0xb8;
	[tilespmem:$0xA700] =	vst v63  }
0x20: {  	_ =	swait.ge [sflag:s19], $0x2800  }
0x21: {  	[sflag:s19] =	ssyncset.done $0x0  }
0x22: {  	[sflag:s19] =	ssyncadd.s32 $0xFFFFD800  }
0x23: {  	[tilespmem:s20], [sflag:$0x2] =	stream.indirect.gather [hbm4b:s3+s16], $0x80, s16, s16, $0xb8;
	[tilespmem:$0xA700] =	vst v63  }
0x24: {  	s22 =	rddreg [dreg:$0x5]  }
0x25: {  	[hbm4b:s22+s2] =	stream.linear.scatter [tilespmem:s17], [sflag:$0x5], $0x2800, $0x38;
	[tilespmem:$0xA700] =	vst v63  }
0x26: {  	_ =	swait.ge [sflag:s21], $0x2800  }
0x27: {  	[sflag:s21] =	ssyncset.done $0x0  }
0x28: {  	s1 =	simm.s32 $0x3D0;
	[sflag:s21] =	ssyncadd.s32 $0xFFFFD800  }
0x29: {  	[tilespmem:s23], [sflag:$0x4] =	stream.indirect.gather [hbm4b:s4+s16], $0x80, s1, s16, $0xb8;
	[tilespmem:$0xA700] =	vst v63  }
0x2a: {  	_ = 	snop  }
0x2b: {  	[hbm4b:s8+s2] =	stream.linear.scatter [tilespmem:s18], [sflag:$0x7], $0x2800, $0x38;
	[tilespmem:$0xA700] =	vst v63  }
0x2c: {  	_ =	swait.ge [sflag:s24], $0x2800  }
0x2d: {  	[sflag:s24] =	ssyncset.done $0x0  }
0x2e: {  	[sflag:s24] =	ssyncadd.s32 $0xFFFFD800  }
0x2f: {  	_ =	swait.ge [sflag:s25], $0x2800  }
0x30: {  	[sflag:s25] =	ssyncset.done $0x0  }
0x31: {  	s5 =	simm.s32 $0xA0;
	s1 =	sadd.s32 $0x0, s12;
	[sflag:s25] =	ssyncadd.s32 $0xFFFFD800  }
0x32: {  	[tilespmem:s17], [sflag:$0x1] =	stream.indirect.gather [hbm4b:s3+s16], $0x80, s5, s16, $0xb8;
	[tilespmem:$0xA700] =	vst v63  }
0x33: {  	s6 =	sadd.s32 $0x500, s1  }
0x34: {  	[hbm4b:s6+s2] =	stream.linear.scatter [tilespmem:s20], [sflag:$0x6], $0x2800, $0x38;
	[tilespmem:$0xA700] =	vst v63  }
0x35: {  	_ =	swait.ge [sflag:s26], $0x2800  }
0x36: {  	[sflag:s26] =	ssyncset.done $0x0  }
0x37: {  	[sflag:s26] =	ssyncadd.s32 $0xFFFFD800  }
0x38: {  	_ =	swait.ge [sflag:s28], $0x2800  }
0x39: {  	[sflag:s28] =	ssyncset.done $0x0  }
0x3a: {  	s7 =	simm.s32 $0x420;
	s5 =	sadd.s32 $0x0, s13;
	[sflag:s28] =	ssyncadd.s32 $0xFFFFD800  }
0x3b: {  	[tilespmem:s18], [sflag:$0x3] =	stream.indirect.gather [hbm4b:s4+s16], $0x80, s7, s16, $0xb8;
	[tilespmem:$0xA700] =	vst v63  }
0x3c: {  	s22 =	sadd.s32 $0x500, s5  }
0x3d: {  	[hbm4b:s22+s2] =	stream.linear.scatter [tilespmem:s23], [sflag:$0x8], $0x2800, $0x38;
	[tilespmem:$0xA700] =	vst v63  }
0x3e: {  	_ =	swait.ge [sflag:s19], $0x2800  }
0x3f: {  	[sflag:s19] =	ssyncset.done $0x0  }
0x40: {  	[sflag:s19] =	ssyncadd.s32 $0xFFFFD800  }
0x41: {  	_ =	swait.ge [sflag:s29], $0x2800  }
0x42: {  	[sflag:s29] =	ssyncset.done $0x0  }
0x43: {  	s6 =	simm.s32 $0xF0;
	[sflag:s29] =	ssyncadd.s32 $0xFFFFD800  }
0x44: {  	[tilespmem:s20], [sflag:$0x2] =	stream.indirect.gather [hbm4b:s3+s16], $0x80, s6, s16, $0xb8;
	[tilespmem:$0xA700] =	vst v63  }
0x45: {  	s7 =	sadd.s32 $0xA00, s1  }
0x46: {  	[hbm4b:s7+s2] =	stream.linear.scatter [tilespmem:s17], [sflag:$0x5], $0x2800, $0x38;
	[tilespmem:$0xA700] =	vst v63  }
0x47: {  	_ =	swait.ge [sflag:s21], $0x2800  }
0x48: {  	[sflag:s21] =	ssyncset.done $0x0  }
0x49: {  	[sflag:s21] =	ssyncadd.s32 $0xFFFFD800  }
0x4a: {  	_ =	swait.ge [sflag:s30], $0x2800  }
0x4b: {  	[sflag:s30] =	ssyncset.done $0x0  }
0x4c: {  	s0 =	simm.s32 $0x190;
	s22 =	simm.s32 $0x470;
	[sflag:s30] =	ssyncadd.s32 $0xFFFFD800  }
0x4d: {  	[tilespmem:s23], [sflag:$0x4] =	stream.indirect.gather [hbm4b:s4+s16], $0x80, s22, s16, $0xb8;
	[tilespmem:$0xA700] =	vst v63  }
0x4e: {  	s5 =	sadd.s32 $0xA00, s5;
	s1 =	simm.s32 $0xA00;
	s22 =	simm.s32 $0x510  }
.LBB2_2:
0x4f: {  	[hbm4b:s5+s2] =	stream.linear.scatter [tilespmem:s18], [sflag:$0x7], $0x2800, $0x38;
	[tilespmem:$0xA700] =	vst v63  }
0x50: {  	s5 =	smov.u32 s1  }
0x51: {  	p0 =	sne.s32 s1, $0x1E00;
	s1 =	sadd.s32 $0xA00, s1;
	_ =	swait.ge [sflag:s24], $0x2800  }
0x52: {  	[sflag:s24] =	ssyncset.done $0x0  }
0x53: {  	[sflag:s24] =	ssyncadd.s32 $0xFFFFD800  }
0x54: {  	_ =	swait.ge [sflag:s25], $0x2800  }
0x55: {  	[sflag:s25] =	ssyncset.done $0x0  }
0x56: {  	s6 =	sadd.s32 $0xFFFFFFB0, s0;
	s7 =	sadd.s32 s5, s12;
	[sflag:s25] =	ssyncadd.s32 $0xFFFFD800  }
0x57: {  	[tilespmem:s17], [sflag:$0x1] =	stream.indirect.gather [hbm4b:s3+s16], $0x80, s6, s16, $0xb8;
	[tilespmem:$0xA700] =	vst v63  }
0x58: {  	s6 =	sadd.s32 $0x500, s7  }
0x59: {  	[hbm4b:s6+s2] =	stream.linear.scatter [tilespmem:s20], [sflag:$0x6], $0x2800, $0x38;
	[tilespmem:$0xA700] =	vst v63  }
0x5a: {  	_ =	swait.ge [sflag:s26], $0x2800  }
0x5b: {  	[sflag:s26] =	ssyncset.done $0x0  }
0x5c: {  	[sflag:s26] =	ssyncadd.s32 $0xFFFFD800  }
0x5d: {  	_ =	swait.ge [sflag:s28], $0x2800  }
0x5e: {  	[sflag:s28] =	ssyncset.done $0x0  }
0x5f: {  	s5 =	sadd.s32 s5, s13;
	s6 =	sadd.s32 $0xFFFFFFB0, s22;
	[sflag:s28] =	ssyncadd.s32 $0xFFFFD800  }
0x60: {  	[tilespmem:s18], [sflag:$0x3] =	stream.indirect.gather [hbm4b:s4+s16], $0x80, s6, s16, $0xb8;
	[tilespmem:$0xA700] =	vst v63  }
0x61: {  	s6 =	sadd.s32 $0x500, s5  }
0x62: {  	[hbm4b:s6+s2] =	stream.linear.scatter [tilespmem:s23], [sflag:$0x8], $0x2800, $0x38;
	[tilespmem:$0xA700] =	vst v63  }
0x63: {  	_ =	swait.ge [sflag:s19], $0x2800  }
0x64: {  	[sflag:s19] =	ssyncset.done $0x0  }
0x65: {  	[sflag:s19] =	ssyncadd.s32 $0xFFFFD800  }
0x66: {  	_ =	swait.ge [sflag:s29], $0x2800  }
0x67: {  	[sflag:s29] =	ssyncset.done $0x0  }
0x68: {  	[sflag:s29] =	ssyncadd.s32 $0xFFFFD800  }
0x69: {  	[tilespmem:s20], [sflag:$0x2] =	stream.indirect.gather [hbm4b:s3+s16], $0x80, s0, s16, $0xb8;
	[tilespmem:$0xA700] =	vst v63  }
0x6a: {  	s6 =	sadd.s32 $0xA00, s7  }
0x6b: {  	[hbm4b:s6+s2] =	stream.linear.scatter [tilespmem:s17], [sflag:$0x5], $0x2800, $0x38;
	[tilespmem:$0xA700] =	vst v63  }
0x6c: {  	_ =	swait.ge [sflag:s21], $0x2800  }
0x6d: {  	[sflag:s21] =	ssyncset.done $0x0  }
0x6e: {  	[sflag:s21] =	ssyncadd.s32 $0xFFFFD800  }
.Ltmp0:
0x6f: {  	_ =	swait.ge [sflag:s30], $0x2800;
	(pc) =	sbr.rel @p0 .LBB2_2-.Ltmp0, $4  }
0x70: {  	[sflag:s30] =	ssyncset.done $0x0  }
0x71: {  	[sflag:s30] =	ssyncadd.s32 $0xFFFFD800  }
0x72: {  	[tilespmem:s23], [sflag:$0x4] =	stream.indirect.gather [hbm4b:s4+s16], $0x80, s22, s16, $0xb8;
	[tilespmem:$0xA700] =	vst v63  }
0x73: {  	s5 =	sadd.s32 $0xA00, s5;
	s0 =	sadd.s32 $0xA0, s0;
	s22 =	sadd.s32 $0xA0, s22  }
0x74: {  	[hbm4b:s5+s2] =	stream.linear.scatter [tilespmem:s18], [sflag:$0x7], $0x2800, $0x38;
	[tilespmem:$0xA700] =	vst v63  }
0x75: {  	_ =	swait.ge [sflag:s24], $0x2800  }
0x76: {  	[sflag:s24] =	ssyncset.done $0x0  }
0x77: {  	[sflag:s24] =	ssyncadd.s32 $0xFFFFD800  }
0x78: {  	_ =	swait.ge [sflag:s25], $0x2800  }
0x79: {  	[sflag:s25] =	ssyncset.done $0x0  }
0x7a: {  	[sflag:s25] =	ssyncadd.s32 $0xFFFFD800  }
0x7b: {  	[hbm4b:s9+s2] =	stream.linear.scatter [tilespmem:s20], [sflag:$0x6], $0x2800, $0x38;
	[tilespmem:$0xA700] =	vst v63  }
0x7c: {  	_ =	swait.ge [sflag:s29], $0x2800  }
0x7d: {  	[sflag:s29] =	ssyncset.done $0x0  }
0x7e: {  	[sflag:s29] =	ssyncadd.s32 $0xFFFFD800  }
0x7f: {  	_ =	swait.ge [sflag:s26], $0x2800  }
0x80: {  	[sflag:s26] =	ssyncset.done $0x0  }
0x81: {  	[sflag:s26] =	ssyncadd.s32 $0xFFFFD800  }
0x82: {  	s31 =	sadd.s32 $0x1, s31;
	_ =	swait.ge [sflag:s28], $0x2800  }
0x83: {  	p0 =	sne.s32 s31, s11;
	[sflag:s28] =	ssyncset.done $0x0  }
.Ltmp1:
0x84: {  	[sflag:s28] =	ssyncadd.s32 $0xFFFFD800;
	(pc) =	sbr.rel @p0 .LBB2_1-.Ltmp1, $4  }
0x85: {  	[hbm4b:s10+s2] =	stream.linear.scatter [tilespmem:s23], [sflag:$0x8], $0x2800, $0x38;
	[tilespmem:$0xA700] =	vst v63  }
0x86: {  	_ =	swait.ge [sflag:s30], $0x2800  }
0x87: {  	[sflag:s30] =	ssyncset.done $0x0  }
0x88: {  	[sflag:s30] =	ssyncadd.s32 $0xFFFFD800  }
0x89: {  	_ =	sfence.sel $0x180000  }
0x8a: {  	[bflag:$0x0] =	sbarrier.arrive $0xFFFF  }
0x8b: {  	_ =	strace $0x9000004A  }
0x8c: {  	s0 =	stileid.u32;
	[bflag:$0x2] =	sbarrier.arrive $0xFFFF  }
0x8d: {  	p0 =	sne.s32 s0, $0x0;
	s0 =	rddreg [dreg:$0x2]  }
0x8e: {  	s0 =	sadd.s32 @!p0 $0x100000, s0  }
0x8f: {  	[sflag:s0] =	ssyncadd.tile.s32 @!p0 $0x1;
	_ =	shalt  }
.Lfunc_end2:
_tile_overlayer_lowered:
.L_overlay_start_2:
0x90: {  	(tag) =	ssettag $0x2  }
0x91: {  	s0 =	rddreg [dreg:$0x0];
	s2 =	stileid.u32  }
0x92: {  	s1 =	rddreg [dreg:$0x1];
	p0 =	sne.s32 s2, $0x0  }
0x93: {  	s3 =	rddreg [dreg:$0x2];
	[bflag:$0x3] =	sbarrier.arrive $0xFFFF;
	s2 =	simm.s32 @!p0 $0x1C09  }
0x94: {  	[timem:s3], [sflag:s2] =	dma.local @!p0 [hbm:s0], s1  }
0x95: {  	s0 =	simm.s32 @!p0 $0x9  }
0x96: {  	_ =	swait.ge @!p0 [sflag:s0], s1  }
0x97: {  	s1 =	ssub.s32 @!p0 $0x0, s1;
	[sflag:s0] =	ssyncset.done @!p0 $0x0  }
0x98: {  	[sflag:s0] =	ssyncadd.s32 @!p0 s1  }
0x99: {  	[bflag:$0x3] =	sbarrier.arrive $0xFFFF  }
0x9a: {  	_ =	shalt  }

</sc_bundles>
